<compile_context>
chip_gen: v7x
topology: tpu7x:2x2x1
jax: 0.10.2.dev20260603
libtpu: 0.0.44.dev20260713+nightly
codegen_flags: <defaults>
</compile_context>

<pallas_src>
import functools

import jax
import jax.numpy as jnp
from jax import lax
from jax.experimental import pallas as pl
from jax.experimental.pallas import tpu as pltpu
from jax.experimental.pallas import tpu_sc as plsc

ROI_PER_IMAGE = 128
R = 20000
RP = 20480
NGT = 100
SUB = 40
NBLK = RP // (SUB * 128)
K = ROI_PER_IMAGE
CH = 160
NCH = RP // CH

BIG_I = 1 << 30


def _iou_argmax_tc(comp_ref, gt_ref, mo_ref, ga_ref):
    r = pl.program_id(1)
    x = comp_ref[0, 0]
    y = comp_ref[0, 1]
    z = comp_ref[0, 2]
    dx = comp_ref[0, 3]
    dy = comp_ref[0, 4]
    dz = comp_ref[0, 5]
    ax0 = x + dx * 0.5
    ax1 = y + dy * 0.5
    ax2 = z + dz * 0.5
    an0 = x - dx * 0.5
    an1 = y - dy * 0.5
    an2 = z - dz * 0.5
    vol_a = dx * dy * dz

    def body(g, carry):
        best, bi = carry
        gx = gt_ref[0, 0, g]
        gy = gt_ref[0, 1, g]
        gz = gt_ref[0, 2, g]
        gdx = gt_ref[0, 3, g]
        gdy = gt_ref[0, 4, g]
        gdz = gt_ref[0, 5, g]
        t0 = jnp.clip(jnp.minimum(ax0, gx + gdx * 0.5) - jnp.maximum(an0, gx - gdx * 0.5), 0.0, None)
        t1 = jnp.clip(jnp.minimum(ax1, gy + gdy * 0.5) - jnp.maximum(an1, gy - gdy * 0.5), 0.0, None)
        t2 = jnp.clip(jnp.minimum(ax2, gz + gdz * 0.5) - jnp.maximum(an2, gz - gdz * 0.5), 0.0, None)
        inter = t0 * t1 * t2
        union = jnp.clip(vol_a + gdx * gdy * gdz - inter, 1e-6, None)
        iou = inter / union
        upd = iou > best
        best = jnp.where(upd, iou, best)
        bi = jnp.where(upd, g, bi)
        return best, bi

    best0 = jnp.full((SUB, 128), -1.0, jnp.float32)
    bi0 = jnp.zeros((SUB, 128), jnp.int32)
    best, bi = lax.fori_loop(0, NGT, body, (best0, bi0), unroll=10)
    gidx = (r * SUB + lax.broadcasted_iota(jnp.int32, (SUB, 128), 0)) * 128 \
        + lax.broadcasted_iota(jnp.int32, (SUB, 128), 1)
    mo_ref[0] = jnp.where(gidx < R, best, -1.0)
    ga_ref[0] = bi


def _stage1(comp, gtc):
    B = comp.shape[0]
    return pl.pallas_call(
        _iou_argmax_tc,
        grid=(B, NBLK),
        in_specs=[
            pl.BlockSpec((1, 8, SUB, 128), lambda b, r: (b, 0, r, 0)),
            pl.BlockSpec((1, 8, 128), lambda b, r: (b, 0, 0),
                         memory_space=pltpu.SMEM),
        ],
        out_specs=[
            pl.BlockSpec((1, SUB, 128), lambda b, r: (b, r, 0)),
            pl.BlockSpec((1, SUB, 128), lambda b, r: (b, r, 0)),
        ],
        out_shape=[
            jax.ShapeDtypeStruct((B, RP // 128, 128), jnp.float32),
            jax.ShapeDtypeStruct((B, RP // 128, 128), jnp.int32),
        ],
    )(comp, gtc)


def _topk_gather_sc(B):
    mesh = plsc.VectorSubcoreMesh(core_axis_name="c", subcore_axis_name="s",
                                  num_cores=1)
    nc = 1

    @functools.partial(
        pl.kernel,
        mesh=mesh,
        compiler_params=pltpu.CompilerParams(needs_layout_passes=False,
                                             use_tc_tiling_on_sc=False,
                                             skip_device_barrier=True),
        out_type=[
            jax.ShapeDtypeStruct((B, K), jnp.float32),
            jax.ShapeDtypeStruct((B, K), jnp.int32),
            jax.ShapeDtypeStruct((B, K), jnp.int32),
            jax.ShapeDtypeStruct((B, K), jnp.float32),
            jax.ShapeDtypeStruct((B, K), jnp.int32),
        ],
        scratch_types=[
            pltpu.VMEM((RP,), jnp.float32),
            pltpu.VMEM((RP,), jnp.int32),
            pltpu.VMEM((RP,), jnp.float32),
            pltpu.VMEM((RP,), jnp.int32),
            pltpu.VMEM((NCH,), jnp.float32),
            pltpu.VMEM((K,), jnp.float32),
            pltpu.VMEM((K,), jnp.int32),
            pltpu.VMEM((K,), jnp.int32),
            pltpu.VMEM((K,), jnp.float32),
            pltpu.VMEM((K,), jnp.int32),
        ],
    )
    def kfn(mo_h, ga_h, sc_h, lb_h,
            vals_o, idx_o, gasel_o, sco_o, lbl_o,
            mo_v, ga_v, sc_v, lb_v, cmax_v, vals_v, idx_v, gidx_v,
            scl_v, lbl_v):
        wid = lax.axis_index("s") * nc + lax.axis_index("c")
        lane = lax.iota(jnp.int32, 16)
        lane0 = lane == 0

        def store1(ref, i, v):
            idx = jnp.zeros((16,), jnp.int32) + i
            val = jnp.zeros((16,), ref.dtype) + v
            plsc.store_scatter(ref, [idx], val, mask=lane0)

        @pl.when(wid < B)
        def _():
            b = wid
            pltpu.sync_copy(mo_h.at[b], mo_v)
            pltpu.sync_copy(ga_h.at[b], ga_v)
            pltpu.sync_copy(sc_h.at[b], sc_v.at[pl.ds(0, R)])
            pltpu.sync_copy(lb_h.at[b], lb_v.at[pl.ds(0, R)])

            def tree_max(vs):
                while len(vs) > 1:
                    vs = [jnp.maximum(vs[i], vs[i + 1]) for i in range(0, len(vs) - 1, 2)] \
                        + ([vs[-1]] if len(vs) % 2 else [])
                return vs[0]

            def chunk_max(base):
                vs = [mo_v[pl.ds(base + j * 16, 16)] for j in range(CH // 16)]
                return jnp.max(tree_max(vs))

            def init_cmax(c, _):
                store1(cmax_v, c, chunk_max(c * CH))
                return 0
            lax.fori_loop(0, NCH, init_cmax, 0, unroll=2)

            def tree_min(vs):
                while len(vs) > 1:
                    vs = [jnp.minimum(vs[i], vs[i + 1]) for i in range(0, len(vs) - 1, 2)] \
                        + ([vs[-1]] if len(vs) % 2 else [])
                return vs[0]

            def sel_body(k, _):
                cvs = [cmax_v[pl.ds(j * 16, 16)] for j in range(NCH // 16)]
                m = jnp.max(tree_max(cvs))

                cand = [jnp.where(v == m, lane + j * 16, BIG_I)
                        for j, v in enumerate(cvs)]
                cidx = jnp.min(tree_min(cand))
                base = cidx * CH

                evs = [mo_v[pl.ds(base + j * 16, 16)] for j in range(CH // 16)]
                ecand = [jnp.where(v == m, lane + j * 16, BIG_I)
                         for j, v in enumerate(evs)]
                eidx = base + jnp.min(tree_min(ecand))

                store1(vals_v, k, m)
                store1(idx_v, k, eidx)
                store1(mo_v, eidx, -2.0)
                store1(cmax_v, cidx, chunk_max(base))
                return 0
            lax.fori_loop(0, K, sel_body, 0, unroll=2)

            def gath(j, _):
                sl = pl.ds(j * 16, 16)
                ii = idx_v[sl]
                ga16 = plsc.load_gather(ga_v, [ii])
                gidx_v[sl] = ga16
                scl_v[sl] = plsc.load_gather(sc_v, [ii])
                lbl_v[sl] = plsc.load_gather(lb_v, [ii])
                return 0
            lax.fori_loop(0, K // 16, gath, 0)

            pltpu.sync_copy(vals_v, vals_o.at[b])
            pltpu.sync_copy(idx_v, idx_o.at[b])
            pltpu.sync_copy(gidx_v, gasel_o.at[b])
            pltpu.sync_copy(scl_v, sco_o.at[b])
            pltpu.sync_copy(lbl_v, lbl_o.at[b])

    return kfn


GCH = 2048


def _gather_rows_tc_body(idx_ref, gsel_ref, rois_ref, gt_ref, ro_ref, go_ref):
    c = pl.program_id(1)
    ci = lax.broadcasted_iota(jnp.int32, (GCH, K), 0) + c * GCH
    oh = jnp.where(ci == idx_ref[0], 1.0, 0.0).astype(jnp.float32)
    part = jnp.dot(rois_ref[0], oh, preferred_element_type=jnp.float32,
                   precision=lax.Precision.HIGHEST)

    @pl.when(c == 0)
    def _():
        gi = lax.broadcasted_iota(jnp.int32, (128, K), 0)
        goh = jnp.where(gi == gsel_ref[0], 1.0, 0.0).astype(jnp.float32)
        go_ref[0] = jnp.dot(gt_ref[0], goh, preferred_element_type=jnp.float32,
                            precision=lax.Precision.HIGHEST)
        ro_ref[0] = part

    @pl.when(c != 0)
    def _():
        ro_ref[0] = ro_ref[0] + part


def _gather_rows_tc(idx, gsel, comp8_flat, gtc8):
    B = idx.shape[0]
    return pl.pallas_call(
        _gather_rows_tc_body,
        grid=(B, RP // GCH),
        in_specs=[
            pl.BlockSpec((1, 1, K), lambda b, c: (b, 0, 0)),
            pl.BlockSpec((1, 1, K), lambda b, c: (b, 0, 0)),
            pl.BlockSpec((1, 8, GCH), lambda b, c: (b, 0, c)),
            pl.BlockSpec((1, 8, 128), lambda b, c: (b, 0, 0)),
        ],
        out_specs=[
            pl.BlockSpec((1, 8, K), lambda b, c: (b, 0, 0)),
            pl.BlockSpec((1, 8, K), lambda b, c: (b, 0, 0)),
        ],
        out_shape=[
            jax.ShapeDtypeStruct((B, 8, K), jnp.float32),
            jax.ShapeDtypeStruct((B, 8, K), jnp.float32),
        ],
    )(idx.reshape(B, 1, K), gsel.reshape(B, 1, K), comp8_flat, gtc8)


def kernel(rois, roi_scores, gt_boxes, roi_labels, unlabeled_inds, batch_size):
    del unlabeled_inds, batch_size
    B = rois.shape[0]

    rois_pad = jnp.pad(rois, ((0, 0), (0, RP - R), (0, 1)))
    comp = jnp.transpose(rois_pad, (0, 2, 1)).reshape(B, 8, RP // 128, 128)
    gtc = jnp.pad(jnp.transpose(gt_boxes, (0, 2, 1)), ((0, 0), (0, 0), (0, 28)))

    mo, ga = _stage1(comp, gtc)
    mo = mo.reshape(B, RP)
    ga = ga.reshape(B, RP)

    vals, sampled, gasel, scores_sel, labels_sel = _topk_gather_sc(B)(
        mo, ga, roi_scores, roi_labels.astype(jnp.int32))

    rois_sel, gts_sel = _gather_rows_tc(sampled, gasel,
                                        comp.reshape(B, 8, RP), gtc)

    batch_rois = jnp.transpose(rois_sel, (0, 2, 1))[:, :, :7]
    batch_gt_of_rois = jnp.transpose(gts_sel, (0, 2, 1))
    reg_valid_mask = jnp.zeros((B, ROI_PER_IMAGE), jnp.int32)
    cls_labels = -jnp.ones((B, ROI_PER_IMAGE), jnp.float32)
    interval_mask = jnp.zeros((B, ROI_PER_IMAGE), dtype=bool)
    return (batch_rois, batch_gt_of_rois, vals, scores_sel, labels_sel,
            reg_valid_mask, cls_labels, interval_mask)

# --- scband reference (transcript-rebuilt; emitter-appended) ---
"""Pipeline reference for scband-proposal-target-layer-1675037245893 (READ-ONLY COPY).

The authoritative reference and input builder live on the scoring server;
editing this copy changes nothing except your own understanding.
"""

import jax, jax.numpy as jnp
import numpy as np

ROI_PER_IMAGE = 128
FG_RATIO = 0.5

def _iou3d(a, b):
    # axis-aligned 3D IoU approximation of boxes_iou3d_gpu (rotation ignored)
    a_min = a[:, 0:3] - a[:, 3:6] * 0.5
    a_max = a[:, 0:3] + a[:, 3:6] * 0.5
    b_min = b[:, 0:3] - b[:, 3:6] * 0.5
    b_max = b[:, 0:3] + b[:, 3:6] * 0.5
    mn = jnp.minimum(a_max[:, None, :], b_max[None, :, :])
    mx = jnp.maximum(a_min[:, None, :], b_min[None, :, :])
    inter = jnp.prod(jnp.clip(mn - mx, 0.0, None), axis=-1)
    vol_a = jnp.prod(a[:, 3:6], axis=-1)
    vol_b = jnp.prod(b[:, 3:6], axis=-1)
    union = jnp.clip(vol_a[:, None] + vol_b[None, :] - inter, 1e-6, None)
    return inter / union

def setup_inputs(seed: int = 0):
    key = jax.random.key(seed)
    k1, k2, k3, k4 = jax.random.split(key, 4)
    B, R, NGT = 4, 20000, 100
    rois = jax.random.uniform(k1, (B, R, 7), dtype=jnp.float32)
    roi_scores = jax.random.uniform(k2, (B, R), dtype=jnp.float32)
    gt_boxes = jax.random.uniform(k3, (B, NGT, 8), dtype=jnp.float32)
    roi_labels = jax.random.randint(k4, (B, R), 0, 3)
    unlabeled_inds = jnp.arange(B)
    return {"rois": rois, "roi_scores": roi_scores, "gt_boxes": gt_boxes, "roi_labels": roi_labels, "unlabeled_inds": unlabeled_inds, "batch_size": B}

def reference(rois, roi_scores, gt_boxes, roi_labels, unlabeled_inds, batch_size):
    # All batch indices are in unlabeled_inds -> subsample_unlabeled_rois_default path:
    # per-image max-IoU assignment + deterministic top-k(fg+hard_bg) sampling.
    fg_rois_per_image = int(np.round(FG_RATIO * ROI_PER_IMAGE))
    bg_rois_per_image = ROI_PER_IMAGE - fg_rois_per_image
    hard_bg_rois_per_image = bg_rois_per_image  # UNLABELED_SAMPLE_EASY_BG = False
    k = fg_rois_per_image + hard_bg_rois_per_image
    rois_o, gts_o, ious_o, scores_o, labels_o = [], [], [], [], []
    for i in range(rois.shape[0]):
        cur_roi = rois[i]
        cur_gt = gt_boxes[i]  # random data: no all-zero trailing boxes to trim
        iou = _iou3d(cur_roi, cur_gt[:, 0:7])
        max_overlaps = jnp.max(iou, axis=1)
        gt_assignment = jnp.argmax(iou, axis=1)
        _, sampled_inds = jax.lax.top_k(max_overlaps, k)
        rois_o.append(cur_roi[sampled_inds])
        gts_o.append(cur_gt[gt_assignment[sampled_inds]])
        ious_o.append(max_overlaps[sampled_inds])
        scores_o.append(roi_scores[i][sampled_inds])
        labels_o.append(roi_labels[i][sampled_inds])
    batch_rois = jnp.stack(rois_o)
    batch_gt_of_rois = jnp.stack(gts_o)
    batch_roi_ious = jnp.stack(ious_o)
    batch_roi_scores = jnp.stack(scores_o)
    batch_roi_labels = jnp.stack(labels_o)
    B = batch_rois.shape[0]
    reg_valid_mask = jnp.zeros((B, ROI_PER_IMAGE), dtype=jnp.int32) * jnp.asarray(batch_size, dtype=jnp.int32)
    cls_labels = -jnp.ones((B, ROI_PER_IMAGE), dtype=jnp.float32)
    interval_mask = jnp.zeros((B, ROI_PER_IMAGE), dtype=bool)
    return (batch_rois, batch_gt_of_rois, batch_roi_ious, batch_roi_scores, batch_roi_labels, reg_valid_mask, cls_labels, interval_mask)

if __name__ == "__main__":
    import jax
    _d = setup_inputs()
    print(jax.jit(kernel)(*tuple(_d.values())))

</pallas_src>

<mosaic_0001>
#map = affine_map<(d0, d1) -> (0, 0)>
module attributes {stable_mosaic.version = 14 : i64} {
  func.func @kfn(%arg0: i32, %arg1: i32, %arg2: memref<4x20480xf32, #tpu.memory_space<hbm>>, %arg3: memref<4x20480xi32, #tpu.memory_space<hbm>>, %arg4: memref<4x20000xf32, #tpu.memory_space<hbm>>, %arg5: memref<4x20000xi32, #tpu.memory_space<hbm>>, %arg6: memref<4x128xf32, #tpu.memory_space<hbm>>, %arg7: memref<4x128xi32, #tpu.memory_space<hbm>>, %arg8: memref<4x128xi32, #tpu.memory_space<hbm>>, %arg9: memref<4x128xf32, #tpu.memory_space<hbm>>, %arg10: memref<4x128xi32, #tpu.memory_space<hbm>>, %arg11: memref<20480xf32, #tpu.memory_space<vmem>>, %arg12: memref<20480xi32, #tpu.memory_space<vmem>>, %arg13: memref<20480xf32, #tpu.memory_space<vmem>>, %arg14: memref<20480xi32, #tpu.memory_space<vmem>>, %arg15: memref<128xf32, #tpu.memory_space<vmem>>, %arg16: memref<128xf32, #tpu.memory_space<vmem>>, %arg17: memref<128xi32, #tpu.memory_space<vmem>>, %arg18: memref<128xi32, #tpu.memory_space<vmem>>, %arg19: memref<128xf32, #tpu.memory_space<vmem>>, %arg20: memref<128xi32, #tpu.memory_space<vmem>>) attributes {dimension_semantics = [#tpu.dimension_semantics<core_parallel>, #tpu.dimension_semantics<subcore_parallel>], iteration_bounds = array<i64: 1, 16>, scalar_prefetch = 0 : i64, scratch_operands = 10 : i64, tpu.core_type = #tpu.core_type<sc_vector_subcore>, window_params = [{transform_indices = #map}, {transform_indices = #map}, {transform_indices = #map}, {transform_indices = #map}, {transform_indices = #map}, {transform_indices = #map}, {transform_indices = #map}, {transform_indices = #map}, {transform_indices = #map}]} {
    %mul3A = arith.constant 1 : i32
    %mul3A_0 = arith.muli %arg1, %mul3A : i32
    %add3A = arith.addi %mul3A_0, %arg0 : i32
    %iota3A = tpu.iota {dimensions = array<i32: 0>} : vector<16xi32>
    %eq3A = arith.constant 0 : i32
    %eq3A_1 = vector.broadcast %eq3A : i32 to vector<16xi32>
    %eq3A_2 = arith.cmpi eq, %iota3A, %eq3A_1 : vector<16xi32>
    %lt3A = arith.constant 4 : i32
    %lt3A_3 = arith.cmpi slt, %add3A, %lt3A : i32
    %convert_element_type3A = arith.extui %lt3A_3 : i1 to i32
    %cond3A = arith.constant 0 : i32
    %cond3A_4 = arith.cmpi ne, %convert_element_type3A, %cond3A : i32
    scf.if %cond3A_4 {
      "tpu.region"() ({
        %run_scoped3A = tpu.sem_alloc : memref<!tpu.dma_semaphore, #tpu.memory_space<semaphore_mem>>
        %dma_start3A = arith.constant 0 : i32
        %dma_start3A_25 = tpu.memref_slice %arg2[%add3A, %dma_start3A] : memref<4x20480xf32, #tpu.memory_space<hbm>> -> memref<1x20480xf32, #tpu.memory_space<hbm>>
        %dma_start3A_26 = tpu.memref_squeeze %dma_start3A_25 : memref<1x20480xf32, #tpu.memory_space<hbm>> -> memref<20480xf32, #tpu.memory_space<hbm>>
        %dma_start3A_27 = arith.constant 0 : i32
        %dma_start3A_28 = tpu.memref_slice %arg2[%add3A, %dma_start3A_27] : memref<4x20480xf32, #tpu.memory_space<hbm>> -> memref<1x20480xf32, #tpu.memory_space<hbm>>
        %dma_start3A_29 = tpu.memref_squeeze %dma_start3A_28 : memref<1x20480xf32, #tpu.memory_space<hbm>> -> memref<20480xf32, #tpu.memory_space<hbm>>
        tpu.enqueue_dma source(%dma_start3A_29 : memref<20480xf32, #tpu.memory_space<hbm>>) target(%arg11 : memref<20480xf32, #tpu.memory_space<vmem>>) target_semaphore(%run_scoped3A : memref<!tpu.dma_semaphore, #tpu.memory_space<semaphore_mem>>)
        %dma_wait3A = arith.constant 0 : i32
        %dma_wait3A_30 = tpu.memref_slice %arg2[%add3A, %dma_wait3A] : memref<4x20480xf32, #tpu.memory_space<hbm>> -> memref<1x20480xf32, #tpu.memory_space<hbm>>
        %dma_wait3A_31 = tpu.memref_squeeze %dma_wait3A_30 : memref<1x20480xf32, #tpu.memory_space<hbm>> -> memref<20480xf32, #tpu.memory_space<hbm>>
        %dma_wait3A_32 = arith.constant 0 : i32
        %dma_wait3A_33 = tpu.memref_slice %arg2[%add3A, %dma_wait3A_32] : memref<4x20480xf32, #tpu.memory_space<hbm>> -> memref<1x20480xf32, #tpu.memory_space<hbm>>
        %dma_wait3A_34 = tpu.memref_squeeze %dma_wait3A_33 : memref<1x20480xf32, #tpu.memory_space<hbm>> -> memref<20480xf32, #tpu.memory_space<hbm>>
        tpu.wait_dma2 semaphore(%run_scoped3A : memref<!tpu.dma_semaphore, #tpu.memory_space<semaphore_mem>>) src(%dma_wait3A_34 : memref<20480xf32, #tpu.memory_space<hbm>>) dst(%arg11 : memref<20480xf32, #tpu.memory_space<vmem>>)
        tpu.yield
      }) : () -> ()
      "tpu.region"() ({
        %run_scoped3A = tpu.sem_alloc : memref<!tpu.dma_semaphore, #tpu.memory_space<semaphore_mem>>
        %dma_start3A = arith.constant 0 : i32
        %dma_start3A_25 = tpu.memref_slice %arg3[%add3A, %dma_start3A] : memref<4x20480xi32, #tpu.memory_space<hbm>> -> memref<1x20480xi32, #tpu.memory_space<hbm>>
        %dma_start3A_26 = tpu.memref_squeeze %dma_start3A_25 : memref<1x20480xi32, #tpu.memory_space<hbm>> -> memref<20480xi32, #tpu.memory_space<hbm>>
        %dma_start3A_27 = arith.constant 0 : i32
        %dma_start3A_28 = tpu.memref_slice %arg3[%add3A, %dma_start3A_27] : memref<4x20480xi32, #tpu.memory_space<hbm>> -> memref<1x20480xi32, #tpu.memory_space<hbm>>
        %dma_start3A_29 = tpu.memref_squeeze %dma_start3A_28 : memref<1x20480xi32, #tpu.memory_space<hbm>> -> memref<20480xi32, #tpu.memory_space<hbm>>
        tpu.enqueue_dma source(%dma_start3A_29 : memref<20480xi32, #tpu.memory_space<hbm>>) target(%arg12 : memref<20480xi32, #tpu.memory_space<vmem>>) target_semaphore(%run_scoped3A : memref<!tpu.dma_semaphore, #tpu.memory_space<semaphore_mem>>)
        %dma_wait3A = arith.constant 0 : i32
        %dma_wait3A_30 = tpu.memref_slice %arg3[%add3A, %dma_wait3A] : memref<4x20480xi32, #tpu.memory_space<hbm>> -> memref<1x20480xi32, #tpu.memory_space<hbm>>
        %dma_wait3A_31 = tpu.memref_squeeze %dma_wait3A_30 : memref<1x20480xi32, #tpu.memory_space<hbm>> -> memref<20480xi32, #tpu.memory_space<hbm>>
        %dma_wait3A_32 = arith.constant 0 : i32
        %dma_wait3A_33 = tpu.memref_slice %arg3[%add3A, %dma_wait3A_32] : memref<4x20480xi32, #tpu.memory_space<hbm>> -> memref<1x20480xi32, #tpu.memory_space<hbm>>
        %dma_wait3A_34 = tpu.memref_squeeze %dma_wait3A_33 : memref<1x20480xi32, #tpu.memory_space<hbm>> -> memref<20480xi32, #tpu.memory_space<hbm>>
        tpu.wait_dma2 semaphore(%run_scoped3A : memref<!tpu.dma_semaphore, #tpu.memory_space<semaphore_mem>>) src(%dma_wait3A_34 : memref<20480xi32, #tpu.memory_space<hbm>>) dst(%arg12 : memref<20480xi32, #tpu.memory_space<vmem>>)
        tpu.yield
      }) : () -> ()
      "tpu.region"() ({
        %run_scoped3A = tpu.sem_alloc : memref<!tpu.dma_semaphore, #tpu.memory_space<semaphore_mem>>
        %dma_start3A = arith.constant 0 : i32
        %dma_start3A_25 = tpu.memref_slice %arg13[%dma_start3A] : memref<20480xf32, #tpu.memory_space<vmem>> -> memref<20000xf32, #tpu.memory_space<vmem>>
        %dma_start3A_26 = arith.constant 0 : i32
        %dma_start3A_27 = tpu.memref_slice %arg4[%add3A, %dma_start3A_26] : memref<4x20000xf32, #tpu.memory_space<hbm>> -> memref<1x20000xf32, #tpu.memory_space<hbm>>
        %dma_start3A_28 = tpu.memref_squeeze %dma_start3A_27 : memref<1x20000xf32, #tpu.memory_space<hbm>> -> memref<20000xf32, #tpu.memory_space<hbm>>
        %dma_start3A_29 = arith.constant 0 : i32
        %dma_start3A_30 = tpu.memref_slice %arg13[%dma_start3A_29] : memref<20480xf32, #tpu.memory_space<vmem>> -> memref<20000xf32, #tpu.memory_space<vmem>>
        %dma_start3A_31 = arith.constant 0 : i32
        %dma_start3A_32 = tpu.memref_slice %arg4[%add3A, %dma_start3A_31] : memref<4x20000xf32, #tpu.memory_space<hbm>> -> memref<1x20000xf32, #tpu.memory_space<hbm>>
        %dma_start3A_33 = tpu.memref_squeeze %dma_start3A_32 : memref<1x20000xf32, #tpu.memory_space<hbm>> -> memref<20000xf32, #tpu.memory_space<hbm>>
        tpu.enqueue_dma source(%dma_start3A_33 : memref<20000xf32, #tpu.memory_space<hbm>>) target(%dma_start3A_30 : memref<20000xf32, #tpu.memory_space<vmem>>) target_semaphore(%run_scoped3A : memref<!tpu.dma_semaphore, #tpu.memory_space<semaphore_mem>>)
        %dma_wait3A = arith.constant 0 : i32
        %dma_wait3A_34 = tpu.memref_slice %arg13[%dma_wait3A] : memref<20480xf32, #tpu.memory_space<vmem>> -> memref<20000xf32, #tpu.memory_space<vmem>>
        %dma_wait3A_35 = arith.constant 0 : i32
        %dma_wait3A_36 = tpu.memref_slice %arg4[%add3A, %dma_wait3A_35] : memref<4x20000xf32, #tpu.memory_space<hbm>> -> memref<1x20000xf32, #tpu.memory_space<hbm>>
        %dma_wait3A_37 = tpu.memref_squeeze %dma_wait3A_36 : memref<1x20000xf32, #tpu.memory_space<hbm>> -> memref<20000xf32, #tpu.memory_space<hbm>>
        %dma_wait3A_38 = arith.constant 0 : i32
        %dma_wait3A_39 = tpu.memref_slice %arg13[%dma_wait3A_38] : memref<20480xf32, #tpu.memory_space<vmem>> -> memref<20000xf32, #tpu.memory_space<vmem>>
        %dma_wait3A_40 = arith.constant 0 : i32
        %dma_wait3A_41 = tpu.memref_slice %arg4[%add3A, %dma_wait3A_40] : memref<4x20000xf32, #tpu.memory_space<hbm>> -> memref<1x20000xf32, #tpu.memory_space<hbm>>
        %dma_wait3A_42 = tpu.memref_squeeze %dma_wait3A_41 : memref<1x20000xf32, #tpu.memory_space<hbm>> -> memref<20000xf32, #tpu.memory_space<hbm>>
        tpu.wait_dma2 semaphore(%run_scoped3A : memref<!tpu.dma_semaphore, #tpu.memory_space<semaphore_mem>>) src(%dma_wait3A_42 : memref<20000xf32, #tpu.memory_space<hbm>>) dst(%dma_wait3A_39 : memref<20000xf32, #tpu.memory_space<vmem>>)
        tpu.yield
      }) : () -> ()
      "tpu.region"() ({
        %run_scoped3A = tpu.sem_alloc : memref<!tpu.dma_semaphore, #tpu.memory_space<semaphore_mem>>
        %dma_start3A = arith.constant 0 : i32
        %dma_start3A_25 = tpu.memref_slice %arg14[%dma_start3A] : memref<20480xi32, #tpu.memory_space<vmem>> -> memref<20000xi32, #tpu.memory_space<vmem>>
        %dma_start3A_26 = arith.constant 0 : i32
        %dma_start3A_27 = tpu.memref_slice %arg5[%add3A, %dma_start3A_26] : memref<4x20000xi32, #tpu.memory_space<hbm>> -> memref<1x20000xi32, #tpu.memory_space<hbm>>
        %dma_start3A_28 = tpu.memref_squeeze %dma_start3A_27 : memref<1x20000xi32, #tpu.memory_space<hbm>> -> memref<20000xi32, #tpu.memory_space<hbm>>
        %dma_start3A_29 = arith.constant 0 : i32
        %dma_start3A_30 = tpu.memref_slice %arg14[%dma_start3A_29] : memref<20480xi32, #tpu.memory_space<vmem>> -> memref<20000xi32, #tpu.memory_space<vmem>>
        %dma_start3A_31 = arith.constant 0 : i32
        %dma_start3A_32 = tpu.memref_slice %arg5[%add3A, %dma_start3A_31] : memref<4x20000xi32, #tpu.memory_space<hbm>> -> memref<1x20000xi32, #tpu.memory_space<hbm>>
        %dma_start3A_33 = tpu.memref_squeeze %dma_start3A_32 : memref<1x20000xi32, #tpu.memory_space<hbm>> -> memref<20000xi32, #tpu.memory_space<hbm>>
        tpu.enqueue_dma source(%dma_start3A_33 : memref<20000xi32, #tpu.memory_space<hbm>>) target(%dma_start3A_30 : memref<20000xi32, #tpu.memory_space<vmem>>) target_semaphore(%run_scoped3A : memref<!tpu.dma_semaphore, #tpu.memory_space<semaphore_mem>>)
        %dma_wait3A = arith.constant 0 : i32
        %dma_wait3A_34 = tpu.memref_slice %arg14[%dma_wait3A] : memref<20480xi32, #tpu.memory_space<vmem>> -> memref<20000xi32, #tpu.memory_space<vmem>>
        %dma_wait3A_35 = arith.constant 0 : i32
        %dma_wait3A_36 = tpu.memref_slice %arg5[%add3A, %dma_wait3A_35] : memref<4x20000xi32, #tpu.memory_space<hbm>> -> memref<1x20000xi32, #tpu.memory_space<hbm>>
        %dma_wait3A_37 = tpu.memref_squeeze %dma_wait3A_36 : memref<1x20000xi32, #tpu.memory_space<hbm>> -> memref<20000xi32, #tpu.memory_space<hbm>>
        %dma_wait3A_38 = arith.constant 0 : i32
        %dma_wait3A_39 = tpu.memref_slice %arg14[%dma_wait3A_38] : memref<20480xi32, #tpu.memory_space<vmem>> -> memref<20000xi32, #tpu.memory_space<vmem>>
        %dma_wait3A_40 = arith.constant 0 : i32
        %dma_wait3A_41 = tpu.memref_slice %arg5[%add3A, %dma_wait3A_40] : memref<4x20000xi32, #tpu.memory_space<hbm>> -> memref<1x20000xi32, #tpu.memory_space<hbm>>
        %dma_wait3A_42 = tpu.memref_squeeze %dma_wait3A_41 : memref<1x20000xi32, #tpu.memory_space<hbm>> -> memref<20000xi32, #tpu.memory_space<hbm>>
        tpu.wait_dma2 semaphore(%run_scoped3A : memref<!tpu.dma_semaphore, #tpu.memory_space<semaphore_mem>>) src(%dma_wait3A_42 : memref<20000xi32, #tpu.memory_space<hbm>>) dst(%dma_wait3A_39 : memref<20000xi32, #tpu.memory_space<vmem>>)
        tpu.yield
      }) : () -> ()
      %scan3A = arith.constant 0 : i32
      %scan3A_5 = arith.constant 0 : i32
      %scan3A_6 = arith.constant 128 : i32
      %scan3A_7 = arith.addi %scan3A_5, %scan3A_6 : i32
      %scan3A_8 = arith.constant 2 : i32
      %scan3A_9 = scf.for %scan3A_25 = %scan3A_5 to %scan3A_7 step %scan3A_8 iter_args(%scan3A_26 = %scan3A) -> (i32)  : i32 {
        %mul3A_27 = arith.constant 160 : i32
        %mul3A_28 = arith.muli %scan3A_25, %mul3A_27 : i32
        %add3A_29 = arith.constant 0 : i32
        %add3A_30 = arith.addi %mul3A_28, %add3A_29 : i32
        %get3A = arith.index_cast %add3A_30 : i32 to index
        %get3A_31 = tpu.vector_load %arg11[%get3A] {strides = array<i32>} : memref<20480xf32, #tpu.memory_space<vmem>>, vector<16xf32>,
        %add3A_32 = arith.constant 16 : i32
        %add3A_33 = arith.addi %mul3A_28, %add3A_32 : i32
        %get3A_34 = arith.index_cast %add3A_33 : i32 to index
        %get3A_35 = tpu.vector_load %arg11[%get3A_34] {strides = array<i32>} : memref<20480xf32, #tpu.memory_space<vmem>>, vector<16xf32>,
        %add3A_36 = arith.constant 32 : i32
        %add3A_37 = arith.addi %mul3A_28, %add3A_36 : i32
        %get3A_38 = arith.index_cast %add3A_37 : i32 to index
        %get3A_39 = tpu.vector_load %arg11[%get3A_38] {strides = array<i32>} : memref<20480xf32, #tpu.memory_space<vmem>>, vector<16xf32>,
        %add3A_40 = arith.constant 48 : i32
        %add3A_41 = arith.addi %mul3A_28, %add3A_40 : i32
        %get3A_42 = arith.index_cast %add3A_41 : i32 to index
        %get3A_43 = tpu.vector_load %arg11[%get3A_42] {strides = array<i32>} : memref<20480xf32, #tpu.memory_space<vmem>>, vector<16xf32>,
        %add3A_44 = arith.constant 64 : i32
        %add3A_45 = arith.addi %mul3A_28, %add3A_44 : i32
        %get3A_46 = arith.index_cast %add3A_45 : i32 to index
        %get3A_47 = tpu.vector_load %arg11[%get3A_46] {strides = array<i32>} : memref<20480xf32, #tpu.memory_space<vmem>>, vector<16xf32>,
        %add3A_48 = arith.constant 80 : i32
        %add3A_49 = arith.addi %mul3A_28, %add3A_48 : i32
        %get3A_50 = arith.index_cast %add3A_49 : i32 to index
        %get3A_51 = tpu.vector_load %arg11[%get3A_50] {strides = array<i32>} : memref<20480xf32, #tpu.memory_space<vmem>>, vector<16xf32>,
        %add3A_52 = arith.constant 96 : i32
        %add3A_53 = arith.addi %mul3A_28, %add3A_52 : i32
        %get3A_54 = arith.index_cast %add3A_53 : i32 to index
        %get3A_55 = tpu.vector_load %arg11[%get3A_54] {strides = array<i32>} : memref<20480xf32, #tpu.memory_space<vmem>>, vector<16xf32>,
        %add3A_56 = arith.constant 112 : i32
        %add3A_57 = arith.addi %mul3A_28, %add3A_56 : i32
        %get3A_58 = arith.index_cast %add3A_57 : i32 to index
        %get3A_59 = tpu.vector_load %arg11[%get3A_58] {strides = array<i32>} : memref<20480xf32, #tpu.memory_space<vmem>>, vector<16xf32>,
        %add3A_60 = arith.constant 128 : i32
        %add3A_61 = arith.addi %mul3A_28, %add3A_60 : i32
        %get3A_62 = arith.index_cast %add3A_61 : i32 to index
        %get3A_63 = tpu.vector_load %arg11[%get3A_62] {strides = array<i32>} : memref<20480xf32, #tpu.memory_space<vmem>>, vector<16xf32>,
        %add3A_64 = arith.constant 144 : i32
        %add3A_65 = arith.addi %mul3A_28, %add3A_64 : i32
        %get3A_66 = arith.index_cast %add3A_65 : i32 to index
        %get3A_67 = tpu.vector_load %arg11[%get3A_66] {strides = array<i32>} : memref<20480xf32, #tpu.memory_space<vmem>>, vector<16xf32>,
        %max3A = arith.maximumf %get3A_31, %get3A_35 : vector<16xf32>
        %max3A_68 = arith.maximumf %get3A_39, %get3A_43 : vector<16xf32>
        %max3A_69 = arith.maximumf %get3A_47, %get3A_51 : vector<16xf32>
        %max3A_70 = arith.maximumf %get3A_55, %get3A_59 : vector<16xf32>
        %max3A_71 = arith.maximumf %get3A_63, %get3A_67 : vector<16xf32>
        %max3A_72 = arith.maximumf %max3A, %max3A_68 : vector<16xf32>
        %max3A_73 = arith.maximumf %max3A_69, %max3A_70 : vector<16xf32>
        %max3A_74 = arith.maximumf %max3A_72, %max3A_73 : vector<16xf32>
        %max3A_75 = arith.maximumf %max3A_74, %max3A_71 : vector<16xf32>
        %reduce_max3A = arith.constant true
        %reduce_max3A_76 = vector.broadcast %reduce_max3A : i1 to vector<16xi1>
        %reduce_max3A_77 = tpu.scan <max>, %max3A_75 masked %reduce_max3A_76 : vector<16xf32>, vector<16xi1> -> vector<16xf32>
        %reduce_max3A_78 = vector.extract %reduce_max3A_77[15] : f32 from vector<16xf32>
        %broadcast_in_dim3A = arith.constant 0 : i32
        %broadcast_in_dim3A_79 = vector.broadcast %broadcast_in_dim3A : i32 to vector<16xi32>
        %add3A_80 = vector.broadcast %scan3A_25 : i32 to vector<16xi32>
        %add3A_81 = arith.addi %broadcast_in_dim3A_79, %add3A_80 : vector<16xi32>
        %broadcast_in_dim3A_82 = arith.constant 0.000000e+00 : f32
        %broadcast_in_dim3A_83 = vector.broadcast %broadcast_in_dim3A_82 : f32 to vector<16xf32>
        %add3A_84 = vector.broadcast %reduce_max3A_78 : f32 to vector<16xf32>
        %add3A_85 = arith.addf %broadcast_in_dim3A_83, %add3A_84 : vector<16xf32>
        tpu.vector_store_idx %arg15[%add3A_81], %add3A_85 masked %eq3A_2 : memref<128xf32, #tpu.memory_space<vmem>>[vector<16xi32>], vector<16xf32>, vector<16xi1>
        %scan3A_86 = arith.constant 0 : i32
        %scan3A_87 = arith.constant 1 : i32
        %scan3A_88 = arith.addi %scan3A_25, %scan3A_87 : i32
        %mul3A_89 = arith.constant 160 : i32
        %mul3A_90 = arith.muli %scan3A_88, %mul3A_89 : i32
        %add3A_91 = arith.constant 0 : i32
        %add3A_92 = arith.addi %mul3A_90, %add3A_91 : i32
        %get3A_93 = arith.index_cast %add3A_92 : i32 to index
        %get3A_94 = tpu.vector_load %arg11[%get3A_93] {strides = array<i32>} : memref<20480xf32, #tpu.memory_space<vmem>>, vector<16xf32>,
        %add3A_95 = arith.constant 16 : i32
        %add3A_96 = arith.addi %mul3A_90, %add3A_95 : i32
        %get3A_97 = arith.index_cast %add3A_96 : i32 to index
        %get3A_98 = tpu.vector_load %arg11[%get3A_97] {strides = array<i32>} : memref<20480xf32, #tpu.memory_space<vmem>>, vector<16xf32>,
        %add3A_99 = arith.constant 32 : i32
        %add3A_100 = arith.addi %mul3A_90, %add3A_99 : i32
        %get3A_101 = arith.index_cast %add3A_100 : i32 to index
        %get3A_102 = tpu.vector_load %arg11[%get3A_101] {strides = array<i32>} : memref<20480xf32, #tpu.memory_space<vmem>>, vector<16xf32>,
        %add3A_103 = arith.constant 48 : i32
        %add3A_104 = arith.addi %mul3A_90, %add3A_103 : i32
        %get3A_105 = arith.index_cast %add3A_104 : i32 to index
        %get3A_106 = tpu.vector_load %arg11[%get3A_105] {strides = array<i32>} : memref<20480xf32, #tpu.memory_space<vmem>>, vector<16xf32>,
        %add3A_107 = arith.constant 64 : i32
        %add3A_108 = arith.addi %mul3A_90, %add3A_107 : i32
        %get3A_109 = arith.index_cast %add3A_108 : i32 to index
        %get3A_110 = tpu.vector_load %arg11[%get3A_109] {strides = array<i32>} : memref<20480xf32, #tpu.memory_space<vmem>>, vector<16xf32>,
        %add3A_111 = arith.constant 80 : i32
        %add3A_112 = arith.addi %mul3A_90, %add3A_111 : i32
        %get3A_113 = arith.index_cast %add3A_112 : i32 to index
        %get3A_114 = tpu.vector_load %arg11[%get3A_113] {strides = array<i32>} : memref<20480xf32, #tpu.memory_space<vmem>>, vector<16xf32>,
        %add3A_115 = arith.constant 96 : i32
        %add3A_116 = arith.addi %mul3A_90, %add3A_115 : i32
        %get3A_117 = arith.index_cast %add3A_116 : i32 to index
        %get3A_118 = tpu.vector_load %arg11[%get3A_117] {strides = array<i32>} : memref<20480xf32, #tpu.memory_space<vmem>>, vector<16xf32>,
        %add3A_119 = arith.constant 112 : i32
        %add3A_120 = arith.addi %mul3A_90, %add3A_119 : i32
        %get3A_121 = arith.index_cast %add3A_120 : i32 to index
        %get3A_122 = tpu.vector_load %arg11[%get3A_121] {strides = array<i32>} : memref<20480xf32, #tpu.memory_space<vmem>>, vector<16xf32>,
        %add3A_123 = arith.constant 128 : i32
        %add3A_124 = arith.addi %mul3A_90, %add3A_123 : i32
        %get3A_125 = arith.index_cast %add3A_124 : i32 to index
        %get3A_126 = tpu.vector_load %arg11[%get3A_125] {strides = array<i32>} : memref<20480xf32, #tpu.memory_space<vmem>>, vector<16xf32>,
        %add3A_127 = arith.constant 144 : i32
        %add3A_128 = arith.addi %mul3A_90, %add3A_127 : i32
        %get3A_129 = arith.index_cast %add3A_128 : i32 to index
        %get3A_130 = tpu.vector_load %arg11[%get3A_129] {strides = array<i32>} : memref<20480xf32, #tpu.memory_space<vmem>>, vector<16xf32>,
        %max3A_131 = arith.maximumf %get3A_94, %get3A_98 : vector<16xf32>
        %max3A_132 = arith.maximumf %get3A_102, %get3A_106 : vector<16xf32>
        %max3A_133 = arith.maximumf %get3A_110, %get3A_114 : vector<16xf32>
        %max3A_134 = arith.maximumf %get3A_118, %get3A_122 : vector<16xf32>
        %max3A_135 = arith.maximumf %get3A_126, %get3A_130 : vector<16xf32>
        %max3A_136 = arith.maximumf %max3A_131, %max3A_132 : vector<16xf32>
        %max3A_137 = arith.maximumf %max3A_133, %max3A_134 : vector<16xf32>
        %max3A_138 = arith.maximumf %max3A_136, %max3A_137 : vector<16xf32>
        %max3A_139 = arith.maximumf %max3A_138, %max3A_135 : vector<16xf32>
        %reduce_max3A_140 = arith.constant true
        %reduce_max3A_141 = vector.broadcast %reduce_max3A_140 : i1 to vector<16xi1>
        %reduce_max3A_142 = tpu.scan <max>, %max3A_139 masked %reduce_max3A_141 : vector<16xf32>, vector<16xi1> -> vector<16xf32>
        %reduce_max3A_143 = vector.extract %reduce_max3A_142[15] : f32 from vector<16xf32>
        %broadcast_in_dim3A_144 = arith.constant 0 : i32
        %broadcast_in_dim3A_145 = vector.broadcast %broadcast_in_dim3A_144 : i32 to vector<16xi32>
        %add3A_146 = vector.broadcast %scan3A_88 : i32 to vector<16xi32>
        %add3A_147 = arith.addi %broadcast_in_dim3A_145, %add3A_146 : vector<16xi32>
        %broadcast_in_dim3A_148 = arith.constant 0.000000e+00 : f32
        %broadcast_in_dim3A_149 = vector.broadcast %broadcast_in_dim3A_148 : f32 to vector<16xf32>
        %add3A_150 = vector.broadcast %reduce_max3A_143 : f32 to vector<16xf32>
        %add3A_151 = arith.addf %broadcast_in_dim3A_149, %add3A_150 : vector<16xf32>
        tpu.vector_store_idx %arg15[%add3A_147], %add3A_151 masked %eq3A_2 : memref<128xf32, #tpu.memory_space<vmem>>[vector<16xi32>], vector<16xf32>, vector<16xi1>
        %scan3A_152 = arith.constant 0 : i32
        scf.yield %scan3A_152 : i32
      }
      %scan3A_10 = arith.constant 128 : i32
      %scan3A_11 = arith.constant 0 : i32
      %scan3A_12 = arith.constant 0 : i32
      %scan3A_13 = arith.constant 128 : i32
      %scan3A_14 = arith.addi %scan3A_12, %scan3A_13 : i32
      %scan3A_15 = arith.constant 2 : i32
      %scan3A_16 = scf.for %scan3A_25 = %scan3A_12 to %scan3A_14 step %scan3A_15 iter_args(%scan3A_26 = %scan3A_11) -> (i32)  : i32 {
        %get3A = arith.constant 0 : index
        %get3A_27 = tpu.vector_load %arg15[%get3A] {strides = array<i32>} : memref<128xf32, #tpu.memory_space<vmem>>, vector<16xf32>,
        %get3A_28 = arith.constant 16 : index
        %get3A_29 = tpu.vector_load %arg15[%get3A_28] {strides = array<i32>} : memref<128xf32, #tpu.memory_space<vmem>>, vector<16xf32>,
        %get3A_30 = arith.constant 32 : index
        %get3A_31 = tpu.vector_load %arg15[%get3A_30] {strides = array<i32>} : memref<128xf32, #tpu.memory_space<vmem>>, vector<16xf32>,
        %get3A_32 = arith.constant 48 : index
        %get3A_33 = tpu.vector_load %arg15[%get3A_32] {strides = array<i32>} : memref<128xf32, #tpu.memory_space<vmem>>, vector<16xf32>,
        %get3A_34 = arith.constant 64 : index
        %get3A_35 = tpu.vector_load %arg15[%get3A_34] {strides = array<i32>} : memref<128xf32, #tpu.memory_space<vmem>>, vector<16xf32>,
        %get3A_36 = arith.constant 80 : index
        %get3A_37 = tpu.vector_load %arg15[%get3A_36] {strides = array<i32>} : memref<128xf32, #tpu.memory_space<vmem>>, vector<16xf32>,
        %get3A_38 = arith.constant 96 : index
        %get3A_39 = tpu.vector_load %arg15[%get3A_38] {strides = array<i32>} : memref<128xf32, #tpu.memory_space<vmem>>, vector<16xf32>,
        %get3A_40 = arith.constant 112 : index
        %get3A_41 = tpu.vector_load %arg15[%get3A_40] {strides = array<i32>} : memref<128xf32, #tpu.memory_space<vmem>>, vector<16xf32>,
        %max3A = arith.maximumf %get3A_27, %get3A_29 : vector<16xf32>
        %max3A_42 = arith.maximumf %get3A_31, %get3A_33 : vector<16xf32>
        %max3A_43 = arith.maximumf %get3A_35, %get3A_37 : vector<16xf32>
        %max3A_44 = arith.maximumf %get3A_39, %get3A_41 : vector<16xf32>
        %max3A_45 = arith.maximumf %max3A, %max3A_42 : vector<16xf32>
        %max3A_46 = arith.maximumf %max3A_43, %max3A_44 : vector<16xf32>
        %max3A_47 = arith.maximumf %max3A_45, %max3A_46 : vector<16xf32>
        %reduce_max3A = arith.constant true
        %reduce_max3A_48 = vector.broadcast %reduce_max3A : i1 to vector<16xi1>
        %reduce_max3A_49 = tpu.scan <max>, %max3A_47 masked %reduce_max3A_48 : vector<16xf32>, vector<16xi1> -> vector<16xf32>
        %reduce_max3A_50 = vector.extract %reduce_max3A_49[15] : f32 from vector<16xf32>
        %eq3A_51 = vector.broadcast %reduce_max3A_50 : f32 to vector<16xf32>
        %eq3A_52 = arith.cmpf oeq, %get3A_27, %eq3A_51 : vector<16xf32>
        %add3A_53 = arith.constant 0 : i32
        %add3A_54 = vector.broadcast %add3A_53 : i32 to vector<16xi32>
        %add3A_55 = arith.addi %iota3A, %add3A_54 : vector<16xi32>
        %jit3A = arith.constant 1073741824 : i32
        %broadcast_in_dim3A = vector.broadcast %jit3A : i32 to vector<16xi32>
        %select_n3A = arith.select %eq3A_52, %add3A_55, %broadcast_in_dim3A : vector<16xi1>, vector<16xi32>
        %eq3A_56 = vector.broadcast %reduce_max3A_50 : f32 to vector<16xf32>
        %eq3A_57 = arith.cmpf oeq, %get3A_29, %eq3A_56 : vector<16xf32>
        %add3A_58 = arith.constant 16 : i32
        %add3A_59 = vector.broadcast %add3A_58 : i32 to vector<16xi32>
        %add3A_60 = arith.addi %iota3A, %add3A_59 : vector<16xi32>
        %jit3A_61 = arith.constant 1073741824 : i32
        %broadcast_in_dim3A_62 = vector.broadcast %jit3A_61 : i32 to vector<16xi32>
        %select_n3A_63 = arith.select %eq3A_57, %add3A_60, %broadcast_in_dim3A_62 : vector<16xi1>, vector<16xi32>
        %eq3A_64 = vector.broadcast %reduce_max3A_50 : f32 to vector<16xf32>
        %eq3A_65 = arith.cmpf oeq, %get3A_31, %eq3A_64 : vector<16xf32>
        %add3A_66 = arith.constant 32 : i32
        %add3A_67 = vector.broadcast %add3A_66 : i32 to vector<16xi32>
        %add3A_68 = arith.addi %iota3A, %add3A_67 : vector<16xi32>
        %jit3A_69 = arith.constant 1073741824 : i32
        %broadcast_in_dim3A_70 = vector.broadcast %jit3A_69 : i32 to vector<16xi32>
        %select_n3A_71 = arith.select %eq3A_65, %add3A_68, %broadcast_in_dim3A_70 : vector<16xi1>, vector<16xi32>
        %eq3A_72 = vector.broadcast %reduce_max3A_50 : f32 to vector<16xf32>
        %eq3A_73 = arith.cmpf oeq, %get3A_33, %eq3A_72 : vector<16xf32>
        %add3A_74 = arith.constant 48 : i32
        %add3A_75 = vector.broadcast %add3A_74 : i32 to vector<16xi32>
        %add3A_76 = arith.addi %iota3A, %add3A_75 : vector<16xi32>
        %jit3A_77 = arith.constant 1073741824 : i32
        %broadcast_in_dim3A_78 = vector.broadcast %jit3A_77 : i32 to vector<16xi32>
        %select_n3A_79 = arith.select %eq3A_73, %add3A_76, %broadcast_in_dim3A_78 : vector<16xi1>, vector<16xi32>
        %eq3A_80 = vector.broadcast %reduce_max3A_50 : f32 to vector<16xf32>
        %eq3A_81 = arith.cmpf oeq, %get3A_35, %eq3A_80 : vector<16xf32>
        %add3A_82 = arith.constant 64 : i32
        %add3A_83 = vector.broadcast %add3A_82 : i32 to vector<16xi32>
        %add3A_84 = arith.addi %iota3A, %add3A_83 : vector<16xi32>
        %jit3A_85 = arith.constant 1073741824 : i32
        %broadcast_in_dim3A_86 = vector.broadcast %jit3A_85 : i32 to vector<16xi32>
        %select_n3A_87 = arith.select %eq3A_81, %add3A_84, %broadcast_in_dim3A_86 : vector<16xi1>, vector<16xi32>
        %eq3A_88 = vector.broadcast %reduce_max3A_50 : f32 to vector<16xf32>
        %eq3A_89 = arith.cmpf oeq, %get3A_37, %eq3A_88 : vector<16xf32>
        %add3A_90 = arith.constant 80 : i32
        %add3A_91 = vector.broadcast %add3A_90 : i32 to vector<16xi32>
        %add3A_92 = arith.addi %iota3A, %add3A_91 : vector<16xi32>
        %jit3A_93 = arith.constant 1073741824 : i32
        %broadcast_in_dim3A_94 = vector.broadcast %jit3A_93 : i32 to vector<16xi32>
        %select_n3A_95 = arith.select %eq3A_89, %add3A_92, %broadcast_in_dim3A_94 : vector<16xi1>, vector<16xi32>
        %eq3A_96 = vector.broadcast %reduce_max3A_50 : f32 to vector<16xf32>
        %eq3A_97 = arith.cmpf oeq, %get3A_39, %eq3A_96 : vector<16xf32>
        %add3A_98 = arith.constant 96 : i32
        %add3A_99 = vector.broadcast %add3A_98 : i32 to vector<16xi32>
        %add3A_100 = arith.addi %iota3A, %add3A_99 : vector<16xi32>
        %jit3A_101 = arith.constant 1073741824 : i32
        %broadcast_in_dim3A_102 = vector.broadcast %jit3A_101 : i32 to vector<16xi32>
        %select_n3A_103 = arith.select %eq3A_97, %add3A_100, %broadcast_in_dim3A_102 : vector<16xi1>, vector<16xi32>
        %eq3A_104 = vector.broadcast %reduce_max3A_50 : f32 to vector<16xf32>
        %eq3A_105 = arith.cmpf oeq, %get3A_41, %eq3A_104 : vector<16xf32>
        %add3A_106 = arith.constant 112 : i32
        %add3A_107 = vector.broadcast %add3A_106 : i32 to vector<16xi32>
        %add3A_108 = arith.addi %iota3A, %add3A_107 : vector<16xi32>
        %jit3A_109 = arith.constant 1073741824 : i32
        %broadcast_in_dim3A_110 = vector.broadcast %jit3A_109 : i32 to vector<16xi32>
        %select_n3A_111 = arith.select %eq3A_105, %add3A_108, %broadcast_in_dim3A_110 : vector<16xi1>, vector<16xi32>
        %min3A = arith.minsi %select_n3A, %select_n3A_63 : vector<16xi32>
        %min3A_112 = arith.minsi %select_n3A_71, %select_n3A_79 : vector<16xi32>
        %min3A_113 = arith.minsi %select_n3A_87, %select_n3A_95 : vector<16xi32>
        %min3A_114 = arith.minsi %select_n3A_103, %select_n3A_111 : vector<16xi32>
        %min3A_115 = arith.minsi %min3A, %min3A_112 : vector<16xi32>
        %min3A_116 = arith.minsi %min3A_113, %min3A_114 : vector<16xi32>
        %min3A_117 = arith.minsi %min3A_115, %min3A_116 : vector<16xi32>
        %reduce_min3A = arith.constant true
        %reduce_min3A_118 = vector.broadcast %reduce_min3A : i1 to vector<16xi1>
        %reduce_min3A_119 = arith.constant -2147483648 : i32
        %reduce_min3A_120 = vector.broadcast %reduce_min3A_119 : i32 to vector<16xi32>
        %reduce_min3A_121 = arith.xori %min3A_117, %reduce_min3A_120 : vector<16xi32>
        %reduce_min3A_122 = tpu.scan <min>, %reduce_min3A_121 masked %reduce_min3A_118 : vector<16xi32>, vector<16xi1> -> vector<16xi32>
        %reduce_min3A_123 = arith.xori %reduce_min3A_122, %reduce_min3A_120 : vector<16xi32>
        %reduce_min3A_124 = vector.extract %reduce_min3A_123[15] : i32 from vector<16xi32>
        %mul3A_125 = arith.constant 160 : i32
        %mul3A_126 = arith.muli %reduce_min3A_124, %mul3A_125 : i32
        %add3A_127 = arith.constant 0 : i32
        %add3A_128 = arith.addi %mul3A_126, %add3A_127 : i32
        %get3A_129 = arith.index_cast %add3A_128 : i32 to index
        %get3A_130 = tpu.vector_load %arg11[%get3A_129] {strides = array<i32>} : memref<20480xf32, #tpu.memory_space<vmem>>, vector<16xf32>,
        %add3A_131 = arith.constant 16 : i32
        %add3A_132 = arith.addi %mul3A_126, %add3A_131 : i32
        %get3A_133 = arith.index_cast %add3A_132 : i32 to index
        %get3A_134 = tpu.vector_load %arg11[%get3A_133] {strides = array<i32>} : memref<20480xf32, #tpu.memory_space<vmem>>, vector<16xf32>,
        %add3A_135 = arith.constant 32 : i32
        %add3A_136 = arith.addi %mul3A_126, %add3A_135 : i32
        %get3A_137 = arith.index_cast %add3A_136 : i32 to index
        %get3A_138 = tpu.vector_load %arg11[%get3A_137] {strides = array<i32>} : memref<20480xf32, #tpu.memory_space<vmem>>, vector<16xf32>,
        %add3A_139 = arith.constant 48 : i32
        %add3A_140 = arith.addi %mul3A_126, %add3A_139 : i32
        %get3A_141 = arith.index_cast %add3A_140 : i32 to index
        %get3A_142 = tpu.vector_load %arg11[%get3A_141] {strides = array<i32>} : memref<20480xf32, #tpu.memory_space<vmem>>, vector<16xf32>,
        %add3A_143 = arith.constant 64 : i32
        %add3A_144 = arith.addi %mul3A_126, %add3A_143 : i32
        %get3A_145 = arith.index_cast %add3A_144 : i32 to index
        %get3A_146 = tpu.vector_load %arg11[%get3A_145] {strides = array<i32>} : memref<20480xf32, #tpu.memory_space<vmem>>, vector<16xf32>,
        %add3A_147 = arith.constant 80 : i32
        %add3A_148 = arith.addi %mul3A_126, %add3A_147 : i32
        %get3A_149 = arith.index_cast %add3A_148 : i32 to index
        %get3A_150 = tpu.vector_load %arg11[%get3A_149] {strides = array<i32>} : memref<20480xf32, #tpu.memory_space<vmem>>, vector<16xf32>,
        %add3A_151 = arith.constant 96 : i32
        %add3A_152 = arith.addi %mul3A_126, %add3A_151 : i32
        %get3A_153 = arith.index_cast %add3A_152 : i32 to index
        %get3A_154 = tpu.vector_load %arg11[%get3A_153] {strides = array<i32>} : memref<20480xf32, #tpu.memory_space<vmem>>, vector<16xf32>,
        %add3A_155 = arith.constant 112 : i32
        %add3A_156 = arith.addi %mul3A_126, %add3A_155 : i32
        %get3A_157 = arith.index_cast %add3A_156 : i32 to index
        %get3A_158 = tpu.vector_load %arg11[%get3A_157] {strides = array<i32>} : memref<20480xf32, #tpu.memory_space<vmem>>, vector<16xf32>,
        %add3A_159 = arith.constant 128 : i32
        %add3A_160 = arith.addi %mul3A_126, %add3A_159 : i32
        %get3A_161 = arith.index_cast %add3A_160 : i32 to index
        %get3A_162 = tpu.vector_load %arg11[%get3A_161] {strides = array<i32>} : memref<20480xf32, #tpu.memory_space<vmem>>, vector<16xf32>,
        %add3A_163 = arith.constant 144 : i32
        %add3A_164 = arith.addi %mul3A_126, %add3A_163 : i32
        %get3A_165 = arith.index_cast %add3A_164 : i32 to index
        %get3A_166 = tpu.vector_load %arg11[%get3A_165] {strides = array<i32>} : memref<20480xf32, #tpu.memory_space<vmem>>, vector<16xf32>,
        %eq3A_167 = vector.broadcast %reduce_max3A_50 : f32 to vector<16xf32>
        %eq3A_168 = arith.cmpf oeq, %get3A_130, %eq3A_167 : vector<16xf32>
        %add3A_169 = arith.constant 0 : i32
        %add3A_170 = vector.broadcast %add3A_169 : i32 to vector<16xi32>
        %add3A_171 = arith.addi %iota3A, %add3A_170 : vector<16xi32>
        %jit3A_172 = arith.constant 1073741824 : i32
        %broadcast_in_dim3A_173 = vector.broadcast %jit3A_172 : i32 to vector<16xi32>
        %select_n3A_174 = arith.select %eq3A_168, %add3A_171, %broadcast_in_dim3A_173 : vector<16xi1>, vector<16xi32>
        %eq3A_175 = vector.broadcast %reduce_max3A_50 : f32 to vector<16xf32>
        %eq3A_176 = arith.cmpf oeq, %get3A_134, %eq3A_175 : vector<16xf32>
        %add3A_177 = arith.constant 16 : i32
        %add3A_178 = vector.broadcast %add3A_177 : i32 to vector<16xi32>
        %add3A_179 = arith.addi %iota3A, %add3A_178 : vector<16xi32>
        %jit3A_180 = arith.constant 1073741824 : i32
        %broadcast_in_dim3A_181 = vector.broadcast %jit3A_180 : i32 to vector<16xi32>
        %select_n3A_182 = arith.select %eq3A_176, %add3A_179, %broadcast_in_dim3A_181 : vector<16xi1>, vector<16xi32>
        %eq3A_183 = vector.broadcast %reduce_max3A_50 : f32 to vector<16xf32>
        %eq3A_184 = arith.cmpf oeq, %get3A_138, %eq3A_183 : vector<16xf32>
        %add3A_185 = arith.constant 32 : i32
        %add3A_186 = vector.broadcast %add3A_185 : i32 to vector<16xi32>
        %add3A_187 = arith.addi %iota3A, %add3A_186 : vector<16xi32>
        %jit3A_188 = arith.constant 1073741824 : i32
        %broadcast_in_dim3A_189 = vector.broadcast %jit3A_188 : i32 to vector<16xi32>
        %select_n3A_190 = arith.select %eq3A_184, %add3A_187, %broadcast_in_dim3A_189 : vector<16xi1>, vector<16xi32>
        %eq3A_191 = vector.broadcast %reduce_max3A_50 : f32 to vector<16xf32>
        %eq3A_192 = arith.cmpf oeq, %get3A_142, %eq3A_191 : vector<16xf32>
        %add3A_193 = arith.constant 48 : i32
        %add3A_194 = vector.broadcast %add3A_193 : i32 to vector<16xi32>
        %add3A_195 = arith.addi %iota3A, %add3A_194 : vector<16xi32>
        %jit3A_196 = arith.constant 1073741824 : i32
        %broadcast_in_dim3A_197 = vector.broadcast %jit3A_196 : i32 to vector<16xi32>
        %select_n3A_198 = arith.select %eq3A_192, %add3A_195, %broadcast_in_dim3A_197 : vector<16xi1>, vector<16xi32>
        %eq3A_199 = vector.broadcast %reduce_max3A_50 : f32 to vector<16xf32>
        %eq3A_200 = arith.cmpf oeq, %get3A_146, %eq3A_199 : vector<16xf32>
        %add3A_201 = arith.constant 64 : i32
        %add3A_202 = vector.broadcast %add3A_201 : i32 to vector<16xi32>
        %add3A_203 = arith.addi %iota3A, %add3A_202 : vector<16xi32>
        %jit3A_204 = arith.constant 1073741824 : i32
        %broadcast_in_dim3A_205 = vector.broadcast %jit3A_204 : i32 to vector<16xi32>
        %select_n3A_206 = arith.select %eq3A_200, %add3A_203, %broadcast_in_dim3A_205 : vector<16xi1>, vector<16xi32>
        %eq3A_207 = vector.broadcast %reduce_max3A_50 : f32 to vector<16xf32>
        %eq3A_208 = arith.cmpf oeq, %get3A_150, %eq3A_207 : vector<16xf32>
        %add3A_209 = arith.constant 80 : i32
        %add3A_210 = vector.broadcast %add3A_209 : i32 to vector<16xi32>
        %add3A_211 = arith.addi %iota3A, %add3A_210 : vector<16xi32>
        %jit3A_212 = arith.constant 1073741824 : i32
        %broadcast_in_dim3A_213 = vector.broadcast %jit3A_212 : i32 to vector<16xi32>
        %select_n3A_214 = arith.select %eq3A_208, %add3A_211, %broadcast_in_dim3A_213 : vector<16xi1>, vector<16xi32>
        %eq3A_215 = vector.broadcast %reduce_max3A_50 : f32 to vector<16xf32>
        %eq3A_216 = arith.cmpf oeq, %get3A_154, %eq3A_215 : vector<16xf32>
        %add3A_217 = arith.constant 96 : i32
        %add3A_218 = vector.broadcast %add3A_217 : i32 to vector<16xi32>
        %add3A_219 = arith.addi %iota3A, %add3A_218 : vector<16xi32>
        %jit3A_220 = arith.constant 1073741824 : i32
        %broadcast_in_dim3A_221 = vector.broadcast %jit3A_220 : i32 to vector<16xi32>
        %select_n3A_222 = arith.select %eq3A_216, %add3A_219, %broadcast_in_dim3A_221 : vector<16xi1>, vector<16xi32>
        %eq3A_223 = vector.broadcast %reduce_max3A_50 : f32 to vector<16xf32>
        %eq3A_224 = arith.cmpf oeq, %get3A_158, %eq3A_223 : vector<16xf32>
        %add3A_225 = arith.constant 112 : i32
        %add3A_226 = vector.broadcast %add3A_225 : i32 to vector<16xi32>
        %add3A_227 = arith.addi %iota3A, %add3A_226 : vector<16xi32>
        %jit3A_228 = arith.constant 1073741824 : i32
        %broadcast_in_dim3A_229 = vector.broadcast %jit3A_228 : i32 to vector<16xi32>
        %select_n3A_230 = arith.select %eq3A_224, %add3A_227, %broadcast_in_dim3A_229 : vector<16xi1>, vector<16xi32>
        %eq3A_231 = vector.broadcast %reduce_max3A_50 : f32 to vector<16xf32>
        %eq3A_232 = arith.cmpf oeq, %get3A_162, %eq3A_231 : vector<16xf32>
        %add3A_233 = arith.constant 128 : i32
        %add3A_234 = vector.broadcast %add3A_233 : i32 to vector<16xi32>
        %add3A_235 = arith.addi %iota3A, %add3A_234 : vector<16xi32>
        %jit3A_236 = arith.constant 1073741824 : i32
        %broadcast_in_dim3A_237 = vector.broadcast %jit3A_236 : i32 to vector<16xi32>
        %select_n3A_238 = arith.select %eq3A_232, %add3A_235, %broadcast_in_dim3A_237 : vector<16xi1>, vector<16xi32>
        %eq3A_239 = vector.broadcast %reduce_max3A_50 : f32 to vector<16xf32>
        %eq3A_240 = arith.cmpf oeq, %get3A_166, %eq3A_239 : vector<16xf32>
        %add3A_241 = arith.constant 144 : i32
        %add3A_242 = vector.broadcast %add3A_241 : i32 to vector<16xi32>
        %add3A_243 = arith.addi %iota3A, %add3A_242 : vector<16xi32>
        %jit3A_244 = arith.constant 1073741824 : i32
        %broadcast_in_dim3A_245 = vector.broadcast %jit3A_244 : i32 to vector<16xi32>
        %select_n3A_246 = arith.select %eq3A_240, %add3A_243, %broadcast_in_dim3A_245 : vector<16xi1>, vector<16xi32>
        %min3A_247 = arith.minsi %select_n3A_174, %select_n3A_182 : vector<16xi32>
        %min3A_248 = arith.minsi %select_n3A_190, %select_n3A_198 : vector<16xi32>
        %min3A_249 = arith.minsi %select_n3A_206, %select_n3A_214 : vector<16xi32>
        %min3A_250 = arith.minsi %select_n3A_222, %select_n3A_230 : vector<16xi32>
        %min3A_251 = arith.minsi %select_n3A_238, %select_n3A_246 : vector<16xi32>
        %min3A_252 = arith.minsi %min3A_247, %min3A_248 : vector<16xi32>
        %min3A_253 = arith.minsi %min3A_249, %min3A_250 : vector<16xi32>
        %min3A_254 = arith.minsi %min3A_252, %min3A_253 : vector<16xi32>
        %min3A_255 = arith.minsi %min3A_254, %min3A_251 : vector<16xi32>
        %reduce_min3A_256 = arith.constant true
        %reduce_min3A_257 = vector.broadcast %reduce_min3A_256 : i1 to vector<16xi1>
        %reduce_min3A_258 = arith.constant -2147483648 : i32
        %reduce_min3A_259 = vector.broadcast %reduce_min3A_258 : i32 to vector<16xi32>
        %reduce_min3A_260 = arith.xori %min3A_255, %reduce_min3A_259 : vector<16xi32>
        %reduce_min3A_261 = tpu.scan <min>, %reduce_min3A_260 masked %reduce_min3A_257 : vector<16xi32>, vector<16xi1> -> vector<16xi32>
        %reduce_min3A_262 = arith.xori %reduce_min3A_261, %reduce_min3A_259 : vector<16xi32>
        %reduce_min3A_263 = vector.extract %reduce_min3A_262[15] : i32 from vector<16xi32>
        %add3A_264 = arith.addi %mul3A_126, %reduce_min3A_263 : i32
        %broadcast_in_dim3A_265 = arith.constant 0 : i32
        %broadcast_in_dim3A_266 = vector.broadcast %broadcast_in_dim3A_265 : i32 to vector<16xi32>
        %add3A_267 = vector.broadcast %scan3A_25 : i32 to vector<16xi32>
        %add3A_268 = arith.addi %broadcast_in_dim3A_266, %add3A_267 : vector<16xi32>
        %broadcast_in_dim3A_269 = arith.constant 0.000000e+00 : f32
        %broadcast_in_dim3A_270 = vector.broadcast %broadcast_in_dim3A_269 : f32 to vector<16xf32>
        %add3A_271 = vector.broadcast %reduce_max3A_50 : f32 to vector<16xf32>
        %add3A_272 = arith.addf %broadcast_in_dim3A_270, %add3A_271 : vector<16xf32>
        tpu.vector_store_idx %arg16[%add3A_268], %add3A_272 masked %eq3A_2 : memref<128xf32, #tpu.memory_space<vmem>>[vector<16xi32>], vector<16xf32>, vector<16xi1>
        %broadcast_in_dim3A_273 = arith.constant 0 : i32
        %broadcast_in_dim3A_274 = vector.broadcast %broadcast_in_dim3A_273 : i32 to vector<16xi32>
        %add3A_275 = vector.broadcast %scan3A_25 : i32 to vector<16xi32>
        %add3A_276 = arith.addi %broadcast_in_dim3A_274, %add3A_275 : vector<16xi32>
        %broadcast_in_dim3A_277 = arith.constant 0 : i32
        %broadcast_in_dim3A_278 = vector.broadcast %broadcast_in_dim3A_277 : i32 to vector<16xi32>
        %add3A_279 = vector.broadcast %add3A_264 : i32 to vector<16xi32>
        %add3A_280 = arith.addi %broadcast_in_dim3A_278, %add3A_279 : vector<16xi32>
        tpu.vector_store_idx %arg17[%add3A_276], %add3A_280 masked %eq3A_2 : memref<128xi32, #tpu.memory_space<vmem>>[vector<16xi32>], vector<16xi32>, vector<16xi1>
        %broadcast_in_dim3A_281 = arith.constant 0 : i32
        %broadcast_in_dim3A_282 = vector.broadcast %broadcast_in_dim3A_281 : i32 to vector<16xi32>
        %add3A_283 = vector.broadcast %add3A_264 : i32 to vector<16xi32>
        %add3A_284 = arith.addi %broadcast_in_dim3A_282, %add3A_283 : vector<16xi32>
        %broadcast_in_dim3A_285 = arith.constant 0.000000e+00 : f32
        %broadcast_in_dim3A_286 = vector.broadcast %broadcast_in_dim3A_285 : f32 to vector<16xf32>
        %add3A_287 = arith.constant -2.000000e+00 : f32
        %add3A_288 = vector.broadcast %add3A_287 : f32 to vector<16xf32>
        %add3A_289 = arith.addf %broadcast_in_dim3A_286, %add3A_288 : vector<16xf32>
        tpu.vector_store_idx %arg11[%add3A_284], %add3A_289 masked %eq3A_2 : memref<20480xf32, #tpu.memory_space<vmem>>[vector<16xi32>], vector<16xf32>, vector<16xi1>
        %add3A_290 = arith.constant 0 : i32
        %add3A_291 = arith.addi %mul3A_126, %add3A_290 : i32
        %get3A_292 = arith.index_cast %add3A_291 : i32 to index
        %get3A_293 = tpu.vector_load %arg11[%get3A_292] {strides = array<i32>} : memref<20480xf32, #tpu.memory_space<vmem>>, vector<16xf32>,
        %add3A_294 = arith.constant 16 : i32
        %add3A_295 = arith.addi %mul3A_126, %add3A_294 : i32
        %get3A_296 = arith.index_cast %add3A_295 : i32 to index
        %get3A_297 = tpu.vector_load %arg11[%get3A_296] {strides = array<i32>} : memref<20480xf32, #tpu.memory_space<vmem>>, vector<16xf32>,
        %add3A_298 = arith.constant 32 : i32
        %add3A_299 = arith.addi %mul3A_126, %add3A_298 : i32
        %get3A_300 = arith.index_cast %add3A_299 : i32 to index
        %get3A_301 = tpu.vector_load %arg11[%get3A_300] {strides = array<i32>} : memref<20480xf32, #tpu.memory_space<vmem>>, vector<16xf32>,
        %add3A_302 = arith.constant 48 : i32
        %add3A_303 = arith.addi %mul3A_126, %add3A_302 : i32
        %get3A_304 = arith.index_cast %add3A_303 : i32 to index
        %get3A_305 = tpu.vector_load %arg11[%get3A_304] {strides = array<i32>} : memref<20480xf32, #tpu.memory_space<vmem>>, vector<16xf32>,
        %add3A_306 = arith.constant 64 : i32
        %add3A_307 = arith.addi %mul3A_126, %add3A_306 : i32
        %get3A_308 = arith.index_cast %add3A_307 : i32 to index
        %get3A_309 = tpu.vector_load %arg11[%get3A_308] {strides = array<i32>} : memref<20480xf32, #tpu.memory_space<vmem>>, vector<16xf32>,
        %add3A_310 = arith.constant 80 : i32
        %add3A_311 = arith.addi %mul3A_126, %add3A_310 : i32
        %get3A_312 = arith.index_cast %add3A_311 : i32 to index
        %get3A_313 = tpu.vector_load %arg11[%get3A_312] {strides = array<i32>} : memref<20480xf32, #tpu.memory_space<vmem>>, vector<16xf32>,
        %add3A_314 = arith.constant 96 : i32
        %add3A_315 = arith.addi %mul3A_126, %add3A_314 : i32
        %get3A_316 = arith.index_cast %add3A_315 : i32 to index
        %get3A_317 = tpu.vector_load %arg11[%get3A_316] {strides = array<i32>} : memref<20480xf32, #tpu.memory_space<vmem>>, vector<16xf32>,
        %add3A_318 = arith.constant 112 : i32
        %add3A_319 = arith.addi %mul3A_126, %add3A_318 : i32
        %get3A_320 = arith.index_cast %add3A_319 : i32 to index
        %get3A_321 = tpu.vector_load %arg11[%get3A_320] {strides = array<i32>} : memref<20480xf32, #tpu.memory_space<vmem>>, vector<16xf32>,
        %add3A_322 = arith.constant 128 : i32
        %add3A_323 = arith.addi %mul3A_126, %add3A_322 : i32
        %get3A_324 = arith.index_cast %add3A_323 : i32 to index
        %get3A_325 = tpu.vector_load %arg11[%get3A_324] {strides = array<i32>} : memref<20480xf32, #tpu.memory_space<vmem>>, vector<16xf32>,
        %add3A_326 = arith.constant 144 : i32
        %add3A_327 = arith.addi %mul3A_126, %add3A_326 : i32
        %get3A_328 = arith.index_cast %add3A_327 : i32 to index
        %get3A_329 = tpu.vector_load %arg11[%get3A_328] {strides = array<i32>} : memref<20480xf32, #tpu.memory_space<vmem>>, vector<16xf32>,
        %max3A_330 = arith.maximumf %get3A_293, %get3A_297 : vector<16xf32>
        %max3A_331 = arith.maximumf %get3A_301, %get3A_305 : vector<16xf32>
        %max3A_332 = arith.maximumf %get3A_309, %get3A_313 : vector<16xf32>
        %max3A_333 = arith.maximumf %get3A_317, %get3A_321 : vector<16xf32>
        %max3A_334 = arith.maximumf %get3A_325, %get3A_329 : vector<16xf32>
        %max3A_335 = arith.maximumf %max3A_330, %max3A_331 : vector<16xf32>
        %max3A_336 = arith.maximumf %max3A_332, %max3A_333 : vector<16xf32>
        %max3A_337 = arith.maximumf %max3A_335, %max3A_336 : vector<16xf32>
        %max3A_338 = arith.maximumf %max3A_337, %max3A_334 : vector<16xf32>
        %reduce_max3A_339 = arith.constant true
        %reduce_max3A_340 = vector.broadcast %reduce_max3A_339 : i1 to vector<16xi1>
        %reduce_max3A_341 = tpu.scan <max>, %max3A_338 masked %reduce_max3A_340 : vector<16xf32>, vector<16xi1> -> vector<16xf32>
        %reduce_max3A_342 = vector.extract %reduce_max3A_341[15] : f32 from vector<16xf32>
        %broadcast_in_dim3A_343 = arith.constant 0 : i32
        %broadcast_in_dim3A_344 = vector.broadcast %broadcast_in_dim3A_343 : i32 to vector<16xi32>
        %add3A_345 = vector.broadcast %reduce_min3A_124 : i32 to vector<16xi32>
        %add3A_346 = arith.addi %broadcast_in_dim3A_344, %add3A_345 : vector<16xi32>
        %broadcast_in_dim3A_347 = arith.constant 0.000000e+00 : f32
        %broadcast_in_dim3A_348 = vector.broadcast %broadcast_in_dim3A_347 : f32 to vector<16xf32>
        %add3A_349 = vector.broadcast %reduce_max3A_342 : f32 to vector<16xf32>
        %add3A_350 = arith.addf %broadcast_in_dim3A_348, %add3A_349 : vector<16xf32>
        tpu.vector_store_idx %arg15[%add3A_346], %add3A_350 masked %eq3A_2 : memref<128xf32, #tpu.memory_space<vmem>>[vector<16xi32>], vector<16xf32>, vector<16xi1>
        %scan3A_351 = arith.constant 0 : i32
        %scan3A_352 = arith.constant 1 : i32
        %scan3A_353 = arith.addi %scan3A_25, %scan3A_352 : i32
        %get3A_354 = arith.constant 0 : index
        %get3A_355 = tpu.vector_load %arg15[%get3A_354] {strides = array<i32>} : memref<128xf32, #tpu.memory_space<vmem>>, vector<16xf32>,
        %get3A_356 = arith.constant 16 : index
        %get3A_357 = tpu.vector_load %arg15[%get3A_356] {strides = array<i32>} : memref<128xf32, #tpu.memory_space<vmem>>, vector<16xf32>,
        %get3A_358 = arith.constant 32 : index
        %get3A_359 = tpu.vector_load %arg15[%get3A_358] {strides = array<i32>} : memref<128xf32, #tpu.memory_space<vmem>>, vector<16xf32>,
        %get3A_360 = arith.constant 48 : index
        %get3A_361 = tpu.vector_load %arg15[%get3A_360] {strides = array<i32>} : memref<128xf32, #tpu.memory_space<vmem>>, vector<16xf32>,
        %get3A_362 = arith.constant 64 : index
        %get3A_363 = tpu.vector_load %arg15[%get3A_362] {strides = array<i32>} : memref<128xf32, #tpu.memory_space<vmem>>, vector<16xf32>,
        %get3A_364 = arith.constant 80 : index
        %get3A_365 = tpu.vector_load %arg15[%get3A_364] {strides = array<i32>} : memref<128xf32, #tpu.memory_space<vmem>>, vector<16xf32>,
        %get3A_366 = arith.constant 96 : index
        %get3A_367 = tpu.vector_load %arg15[%get3A_366] {strides = array<i32>} : memref<128xf32, #tpu.memory_space<vmem>>, vector<16xf32>,
        %get3A_368 = arith.constant 112 : index
        %get3A_369 = tpu.vector_load %arg15[%get3A_368] {strides = array<i32>} : memref<128xf32, #tpu.memory_space<vmem>>, vector<16xf32>,
        %max3A_370 = arith.maximumf %get3A_355, %get3A_357 : vector<16xf32>
        %max3A_371 = arith.maximumf %get3A_359, %get3A_361 : vector<16xf32>
        %max3A_372 = arith.maximumf %get3A_363, %get3A_365 : vector<16xf32>
        %max3A_373 = arith.maximumf %get3A_367, %get3A_369 : vector<16xf32>
        %max3A_374 = arith.maximumf %max3A_370, %max3A_371 : vector<16xf32>
        %max3A_375 = arith.maximumf %max3A_372, %max3A_373 : vector<16xf32>
        %max3A_376 = arith.maximumf %max3A_374, %max3A_375 : vector<16xf32>
        %reduce_max3A_377 = arith.constant true
        %reduce_max3A_378 = vector.broadcast %reduce_max3A_377 : i1 to vector<16xi1>
        %reduce_max3A_379 = tpu.scan <max>, %max3A_376 masked %reduce_max3A_378 : vector<16xf32>, vector<16xi1> -> vector<16xf32>
        %reduce_max3A_380 = vector.extract %reduce_max3A_379[15] : f32 from vector<16xf32>
        %eq3A_381 = vector.broadcast %reduce_max3A_380 : f32 to vector<16xf32>
        %eq3A_382 = arith.cmpf oeq, %get3A_355, %eq3A_381 : vector<16xf32>
        %add3A_383 = arith.constant 0 : i32
        %add3A_384 = vector.broadcast %add3A_383 : i32 to vector<16xi32>
        %add3A_385 = arith.addi %iota3A, %add3A_384 : vector<16xi32>
        %jit3A_386 = arith.constant 1073741824 : i32
        %broadcast_in_dim3A_387 = vector.broadcast %jit3A_386 : i32 to vector<16xi32>
        %select_n3A_388 = arith.select %eq3A_382, %add3A_385, %broadcast_in_dim3A_387 : vector<16xi1>, vector<16xi32>
        %eq3A_389 = vector.broadcast %reduce_max3A_380 : f32 to vector<16xf32>
        %eq3A_390 = arith.cmpf oeq, %get3A_357, %eq3A_389 : vector<16xf32>
        %add3A_391 = arith.constant 16 : i32
        %add3A_392 = vector.broadcast %add3A_391 : i32 to vector<16xi32>
        %add3A_393 = arith.addi %iota3A, %add3A_392 : vector<16xi32>
        %jit3A_394 = arith.constant 1073741824 : i32
        %broadcast_in_dim3A_395 = vector.broadcast %jit3A_394 : i32 to vector<16xi32>
        %select_n3A_396 = arith.select %eq3A_390, %add3A_393, %broadcast_in_dim3A_395 : vector<16xi1>, vector<16xi32>
        %eq3A_397 = vector.broadcast %reduce_max3A_380 : f32 to vector<16xf32>
        %eq3A_398 = arith.cmpf oeq, %get3A_359, %eq3A_397 : vector<16xf32>
        %add3A_399 = arith.constant 32 : i32
        %add3A_400 = vector.broadcast %add3A_399 : i32 to vector<16xi32>
        %add3A_401 = arith.addi %iota3A, %add3A_400 : vector<16xi32>
        %jit3A_402 = arith.constant 1073741824 : i32
        %broadcast_in_dim3A_403 = vector.broadcast %jit3A_402 : i32 to vector<16xi32>
        %select_n3A_404 = arith.select %eq3A_398, %add3A_401, %broadcast_in_dim3A_403 : vector<16xi1>, vector<16xi32>
        %eq3A_405 = vector.broadcast %reduce_max3A_380 : f32 to vector<16xf32>
        %eq3A_406 = arith.cmpf oeq, %get3A_361, %eq3A_405 : vector<16xf32>
        %add3A_407 = arith.constant 48 : i32
        %add3A_408 = vector.broadcast %add3A_407 : i32 to vector<16xi32>
        %add3A_409 = arith.addi %iota3A, %add3A_408 : vector<16xi32>
        %jit3A_410 = arith.constant 1073741824 : i32
        %broadcast_in_dim3A_411 = vector.broadcast %jit3A_410 : i32 to vector<16xi32>
        %select_n3A_412 = arith.select %eq3A_406, %add3A_409, %broadcast_in_dim3A_411 : vector<16xi1>, vector<16xi32>
        %eq3A_413 = vector.broadcast %reduce_max3A_380 : f32 to vector<16xf32>
        %eq3A_414 = arith.cmpf oeq, %get3A_363, %eq3A_413 : vector<16xf32>
        %add3A_415 = arith.constant 64 : i32
        %add3A_416 = vector.broadcast %add3A_415 : i32 to vector<16xi32>
        %add3A_417 = arith.addi %iota3A, %add3A_416 : vector<16xi32>
        %jit3A_418 = arith.constant 1073741824 : i32
        %broadcast_in_dim3A_419 = vector.broadcast %jit3A_418 : i32 to vector<16xi32>
        %select_n3A_420 = arith.select %eq3A_414, %add3A_417, %broadcast_in_dim3A_419 : vector<16xi1>, vector<16xi32>
        %eq3A_421 = vector.broadcast %reduce_max3A_380 : f32 to vector<16xf32>
        %eq3A_422 = arith.cmpf oeq, %get3A_365, %eq3A_421 : vector<16xf32>
        %add3A_423 = arith.constant 80 : i32
        %add3A_424 = vector.broadcast %add3A_423 : i32 to vector<16xi32>
        %add3A_425 = arith.addi %iota3A, %add3A_424 : vector<16xi32>
        %jit3A_426 = arith.constant 1073741824 : i32
        %broadcast_in_dim3A_427 = vector.broadcast %jit3A_426 : i32 to vector<16xi32>
        %select_n3A_428 = arith.select %eq3A_422, %add3A_425, %broadcast_in_dim3A_427 : vector<16xi1>, vector<16xi32>
        %eq3A_429 = vector.broadcast %reduce_max3A_380 : f32 to vector<16xf32>
        %eq3A_430 = arith.cmpf oeq, %get3A_367, %eq3A_429 : vector<16xf32>
        %add3A_431 = arith.constant 96 : i32
        %add3A_432 = vector.broadcast %add3A_431 : i32 to vector<16xi32>
        %add3A_433 = arith.addi %iota3A, %add3A_432 : vector<16xi32>
        %jit3A_434 = arith.constant 1073741824 : i32
        %broadcast_in_dim3A_435 = vector.broadcast %jit3A_434 : i32 to vector<16xi32>
        %select_n3A_436 = arith.select %eq3A_430, %add3A_433, %broadcast_in_dim3A_435 : vector<16xi1>, vector<16xi32>
        %eq3A_437 = vector.broadcast %reduce_max3A_380 : f32 to vector<16xf32>
        %eq3A_438 = arith.cmpf oeq, %get3A_369, %eq3A_437 : vector<16xf32>
        %add3A_439 = arith.constant 112 : i32
        %add3A_440 = vector.broadcast %add3A_439 : i32 to vector<16xi32>
        %add3A_441 = arith.addi %iota3A, %add3A_440 : vector<16xi32>
        %jit3A_442 = arith.constant 1073741824 : i32
        %broadcast_in_dim3A_443 = vector.broadcast %jit3A_442 : i32 to vector<16xi32>
        %select_n3A_444 = arith.select %eq3A_438, %add3A_441, %broadcast_in_dim3A_443 : vector<16xi1>, vector<16xi32>
        %min3A_445 = arith.minsi %select_n3A_388, %select_n3A_396 : vector<16xi32>
        %min3A_446 = arith.minsi %select_n3A_404, %select_n3A_412 : vector<16xi32>
        %min3A_447 = arith.minsi %select_n3A_420, %select_n3A_428 : vector<16xi32>
        %min3A_448 = arith.minsi %select_n3A_436, %select_n3A_444 : vector<16xi32>
        %min3A_449 = arith.minsi %min3A_445, %min3A_446 : vector<16xi32>
        %min3A_450 = arith.minsi %min3A_447, %min3A_448 : vector<16xi32>
        %min3A_451 = arith.minsi %min3A_449, %min3A_450 : vector<16xi32>
        %reduce_min3A_452 = arith.constant true
        %reduce_min3A_453 = vector.broadcast %reduce_min3A_452 : i1 to vector<16xi1>
        %reduce_min3A_454 = arith.constant -2147483648 : i32
        %reduce_min3A_455 = vector.broadcast %reduce_min3A_454 : i32 to vector<16xi32>
        %reduce_min3A_456 = arith.xori %min3A_451, %reduce_min3A_455 : vector<16xi32>
        %reduce_min3A_457 = tpu.scan <min>, %reduce_min3A_456 masked %reduce_min3A_453 : vector<16xi32>, vector<16xi1> -> vector<16xi32>
        %reduce_min3A_458 = arith.xori %reduce_min3A_457, %reduce_min3A_455 : vector<16xi32>
        %reduce_min3A_459 = vector.extract %reduce_min3A_458[15] : i32 from vector<16xi32>
        %mul3A_460 = arith.constant 160 : i32
        %mul3A_461 = arith.muli %reduce_min3A_459, %mul3A_460 : i32
        %add3A_462 = arith.constant 0 : i32
        %add3A_463 = arith.addi %mul3A_461, %add3A_462 : i32
        %get3A_464 = arith.index_cast %add3A_463 : i32 to index
        %get3A_465 = tpu.vector_load %arg11[%get3A_464] {strides = array<i32>} : memref<20480xf32, #tpu.memory_space<vmem>>, vector<16xf32>,
        %add3A_466 = arith.constant 16 : i32
        %add3A_467 = arith.addi %mul3A_461, %add3A_466 : i32
        %get3A_468 = arith.index_cast %add3A_467 : i32 to index
        %get3A_469 = tpu.vector_load %arg11[%get3A_468] {strides = array<i32>} : memref<20480xf32, #tpu.memory_space<vmem>>, vector<16xf32>,
        %add3A_470 = arith.constant 32 : i32
        %add3A_471 = arith.addi %mul3A_461, %add3A_470 : i32
        %get3A_472 = arith.index_cast %add3A_471 : i32 to index
        %get3A_473 = tpu.vector_load %arg11[%get3A_472] {strides = array<i32>} : memref<20480xf32, #tpu.memory_space<vmem>>, vector<16xf32>,
        %add3A_474 = arith.constant 48 : i32
        %add3A_475 = arith.addi %mul3A_461, %add3A_474 : i32
        %get3A_476 = arith.index_cast %add3A_475 : i32 to index
        %get3A_477 = tpu.vector_load %arg11[%get3A_476] {strides = array<i32>} : memref<20480xf32, #tpu.memory_space<vmem>>, vector<16xf32>,
        %add3A_478 = arith.constant 64 : i32
        %add3A_479 = arith.addi %mul3A_461, %add3A_478 : i32
        %get3A_480 = arith.index_cast %add3A_479 : i32 to index
        %get3A_481 = tpu.vector_load %arg11[%get3A_480] {strides = array<i32>} : memref<20480xf32, #tpu.memory_space<vmem>>, vector<16xf32>,
        %add3A_482 = arith.constant 80 : i32
        %add3A_483 = arith.addi %mul3A_461, %add3A_482 : i32
        %get3A_484 = arith.index_cast %add3A_483 : i32 to index
        %get3A_485 = tpu.vector_load %arg11[%get3A_484] {strides = array<i32>} : memref<20480xf32, #tpu.memory_space<vmem>>, vector<16xf32>,
        %add3A_486 = arith.constant 96 : i32
        %add3A_487 = arith.addi %mul3A_461, %add3A_486 : i32
        %get3A_488 = arith.index_cast %add3A_487 : i32 to index
        %get3A_489 = tpu.vector_load %arg11[%get3A_488] {strides = array<i32>} : memref<20480xf32, #tpu.memory_space<vmem>>, vector<16xf32>,
        %add3A_490 = arith.constant 112 : i32
        %add3A_491 = arith.addi %mul3A_461, %add3A_490 : i32
        %get3A_492 = arith.index_cast %add3A_491 : i32 to index
        %get3A_493 = tpu.vector_load %arg11[%get3A_492] {strides = array<i32>} : memref<20480xf32, #tpu.memory_space<vmem>>, vector<16xf32>,
        %add3A_494 = arith.constant 128 : i32
        %add3A_495 = arith.addi %mul3A_461, %add3A_494 : i32
        %get3A_496 = arith.index_cast %add3A_495 : i32 to index
        %get3A_497 = tpu.vector_load %arg11[%get3A_496] {strides = array<i32>} : memref<20480xf32, #tpu.memory_space<vmem>>, vector<16xf32>,
        %add3A_498 = arith.constant 144 : i32
        %add3A_499 = arith.addi %mul3A_461, %add3A_498 : i32
        %get3A_500 = arith.index_cast %add3A_499 : i32 to index
        %get3A_501 = tpu.vector_load %arg11[%get3A_500] {strides = array<i32>} : memref<20480xf32, #tpu.memory_space<vmem>>, vector<16xf32>,
        %eq3A_502 = vector.broadcast %reduce_max3A_380 : f32 to vector<16xf32>
        %eq3A_503 = arith.cmpf oeq, %get3A_465, %eq3A_502 : vector<16xf32>
        %add3A_504 = arith.constant 0 : i32
        %add3A_505 = vector.broadcast %add3A_504 : i32 to vector<16xi32>
        %add3A_506 = arith.addi %iota3A, %add3A_505 : vector<16xi32>
        %jit3A_507 = arith.constant 1073741824 : i32
        %broadcast_in_dim3A_508 = vector.broadcast %jit3A_507 : i32 to vector<16xi32>
        %select_n3A_509 = arith.select %eq3A_503, %add3A_506, %broadcast_in_dim3A_508 : vector<16xi1>, vector<16xi32>
        %eq3A_510 = vector.broadcast %reduce_max3A_380 : f32 to vector<16xf32>
        %eq3A_511 = arith.cmpf oeq, %get3A_469, %eq3A_510 : vector<16xf32>
        %add3A_512 = arith.constant 16 : i32
        %add3A_513 = vector.broadcast %add3A_512 : i32 to vector<16xi32>
        %add3A_514 = arith.addi %iota3A, %add3A_513 : vector<16xi32>
        %jit3A_515 = arith.constant 1073741824 : i32
        %broadcast_in_dim3A_516 = vector.broadcast %jit3A_515 : i32 to vector<16xi32>
        %select_n3A_517 = arith.select %eq3A_511, %add3A_514, %broadcast_in_dim3A_516 : vector<16xi1>, vector<16xi32>
        %eq3A_518 = vector.broadcast %reduce_max3A_380 : f32 to vector<16xf32>
        %eq3A_519 = arith.cmpf oeq, %get3A_473, %eq3A_518 : vector<16xf32>
        %add3A_520 = arith.constant 32 : i32
        %add3A_521 = vector.broadcast %add3A_520 : i32 to vector<16xi32>
        %add3A_522 = arith.addi %iota3A, %add3A_521 : vector<16xi32>
        %jit3A_523 = arith.constant 1073741824 : i32
        %broadcast_in_dim3A_524 = vector.broadcast %jit3A_523 : i32 to vector<16xi32>
        %select_n3A_525 = arith.select %eq3A_519, %add3A_522, %broadcast_in_dim3A_524 : vector<16xi1>, vector<16xi32>
        %eq3A_526 = vector.broadcast %reduce_max3A_380 : f32 to vector<16xf32>
        %eq3A_527 = arith.cmpf oeq, %get3A_477, %eq3A_526 : vector<16xf32>
        %add3A_528 = arith.constant 48 : i32
        %add3A_529 = vector.broadcast %add3A_528 : i32 to vector<16xi32>
        %add3A_530 = arith.addi %iota3A, %add3A_529 : vector<16xi32>
        %jit3A_531 = arith.constant 1073741824 : i32
        %broadcast_in_dim3A_532 = vector.broadcast %jit3A_531 : i32 to vector<16xi32>
        %select_n3A_533 = arith.select %eq3A_527, %add3A_530, %broadcast_in_dim3A_532 : vector<16xi1>, vector<16xi32>
        %eq3A_534 = vector.broadcast %reduce_max3A_380 : f32 to vector<16xf32>
        %eq3A_535 = arith.cmpf oeq, %get3A_481, %eq3A_534 : vector<16xf32>
        %add3A_536 = arith.constant 64 : i32
        %add3A_537 = vector.broadcast %add3A_536 : i32 to vector<16xi32>
        %add3A_538 = arith.addi %iota3A, %add3A_537 : vector<16xi32>
        %jit3A_539 = arith.constant 1073741824 : i32
        %broadcast_in_dim3A_540 = vector.broadcast %jit3A_539 : i32 to vector<16xi32>
        %select_n3A_541 = arith.select %eq3A_535, %add3A_538, %broadcast_in_dim3A_540 : vector<16xi1>, vector<16xi32>
        %eq3A_542 = vector.broadcast %reduce_max3A_380 : f32 to vector<16xf32>
        %eq3A_543 = arith.cmpf oeq, %get3A_485, %eq3A_542 : vector<16xf32>
        %add3A_544 = arith.constant 80 : i32
        %add3A_545 = vector.broadcast %add3A_544 : i32 to vector<16xi32>
        %add3A_546 = arith.addi %iota3A, %add3A_545 : vector<16xi32>
        %jit3A_547 = arith.constant 1073741824 : i32
        %broadcast_in_dim3A_548 = vector.broadcast %jit3A_547 : i32 to vector<16xi32>
        %select_n3A_549 = arith.select %eq3A_543, %add3A_546, %broadcast_in_dim3A_548 : vector<16xi1>, vector<16xi32>
        %eq3A_550 = vector.broadcast %reduce_max3A_380 : f32 to vector<16xf32>
        %eq3A_551 = arith.cmpf oeq, %get3A_489, %eq3A_550 : vector<16xf32>
        %add3A_552 = arith.constant 96 : i32
        %add3A_553 = vector.broadcast %add3A_552 : i32 to vector<16xi32>
        %add3A_554 = arith.addi %iota3A, %add3A_553 : vector<16xi32>
        %jit3A_555 = arith.constant 1073741824 : i32
        %broadcast_in_dim3A_556 = vector.broadcast %jit3A_555 : i32 to vector<16xi32>
        %select_n3A_557 = arith.select %eq3A_551, %add3A_554, %broadcast_in_dim3A_556 : vector<16xi1>, vector<16xi32>
        %eq3A_558 = vector.broadcast %reduce_max3A_380 : f32 to vector<16xf32>
        %eq3A_559 = arith.cmpf oeq, %get3A_493, %eq3A_558 : vector<16xf32>
        %add3A_560 = arith.constant 112 : i32
        %add3A_561 = vector.broadcast %add3A_560 : i32 to vector<16xi32>
        %add3A_562 = arith.addi %iota3A, %add3A_561 : vector<16xi32>
        %jit3A_563 = arith.constant 1073741824 : i32
        %broadcast_in_dim3A_564 = vector.broadcast %jit3A_563 : i32 to vector<16xi32>
        %select_n3A_565 = arith.select %eq3A_559, %add3A_562, %broadcast_in_dim3A_564 : vector<16xi1>, vector<16xi32>
        %eq3A_566 = vector.broadcast %reduce_max3A_380 : f32 to vector<16xf32>
        %eq3A_567 = arith.cmpf oeq, %get3A_497, %eq3A_566 : vector<16xf32>
        %add3A_568 = arith.constant 128 : i32
        %add3A_569 = vector.broadcast %add3A_568 : i32 to vector<16xi32>
        %add3A_570 = arith.addi %iota3A, %add3A_569 : vector<16xi32>
        %jit3A_571 = arith.constant 1073741824 : i32
        %broadcast_in_dim3A_572 = vector.broadcast %jit3A_571 : i32 to vector<16xi32>
        %select_n3A_573 = arith.select %eq3A_567, %add3A_570, %broadcast_in_dim3A_572 : vector<16xi1>, vector<16xi32>
        %eq3A_574 = vector.broadcast %reduce_max3A_380 : f32 to vector<16xf32>
        %eq3A_575 = arith.cmpf oeq, %get3A_501, %eq3A_574 : vector<16xf32>
        %add3A_576 = arith.constant 144 : i32
        %add3A_577 = vector.broadcast %add3A_576 : i32 to vector<16xi32>
        %add3A_578 = arith.addi %iota3A, %add3A_577 : vector<16xi32>
        %jit3A_579 = arith.constant 1073741824 : i32
        %broadcast_in_dim3A_580 = vector.broadcast %jit3A_579 : i32 to vector<16xi32>
        %select_n3A_581 = arith.select %eq3A_575, %add3A_578, %broadcast_in_dim3A_580 : vector<16xi1>, vector<16xi32>
        %min3A_582 = arith.minsi %select_n3A_509, %select_n3A_517 : vector<16xi32>
        %min3A_583 = arith.minsi %select_n3A_525, %select_n3A_533 : vector<16xi32>
        %min3A_584 = arith.minsi %select_n3A_541, %select_n3A_549 : vector<16xi32>
        %min3A_585 = arith.minsi %select_n3A_557, %select_n3A_565 : vector<16xi32>
        %min3A_586 = arith.minsi %select_n3A_573, %select_n3A_581 : vector<16xi32>
        %min3A_587 = arith.minsi %min3A_582, %min3A_583 : vector<16xi32>
        %min3A_588 = arith.minsi %min3A_584, %min3A_585 : vector<16xi32>
        %min3A_589 = arith.minsi %min3A_587, %min3A_588 : vector<16xi32>
        %min3A_590 = arith.minsi %min3A_589, %min3A_586 : vector<16xi32>
        %reduce_min3A_591 = arith.constant true
        %reduce_min3A_592 = vector.broadcast %reduce_min3A_591 : i1 to vector<16xi1>
        %reduce_min3A_593 = arith.constant -2147483648 : i32
        %reduce_min3A_594 = vector.broadcast %reduce_min3A_593 : i32 to vector<16xi32>
        %reduce_min3A_595 = arith.xori %min3A_590, %reduce_min3A_594 : vector<16xi32>
        %reduce_min3A_596 = tpu.scan <min>, %reduce_min3A_595 masked %reduce_min3A_592 : vector<16xi32>, vector<16xi1> -> vector<16xi32>
        %reduce_min3A_597 = arith.xori %reduce_min3A_596, %reduce_min3A_594 : vector<16xi32>
        %reduce_min3A_598 = vector.extract %reduce_min3A_597[15] : i32 from vector<16xi32>
        %add3A_599 = arith.addi %mul3A_461, %reduce_min3A_598 : i32
        %broadcast_in_dim3A_600 = arith.constant 0 : i32
        %broadcast_in_dim3A_601 = vector.broadcast %broadcast_in_dim3A_600 : i32 to vector<16xi32>
        %add3A_602 = vector.broadcast %scan3A_353 : i32 to vector<16xi32>
        %add3A_603 = arith.addi %broadcast_in_dim3A_601, %add3A_602 : vector<16xi32>
        %broadcast_in_dim3A_604 = arith.constant 0.000000e+00 : f32
        %broadcast_in_dim3A_605 = vector.broadcast %broadcast_in_dim3A_604 : f32 to vector<16xf32>
        %add3A_606 = vector.broadcast %reduce_max3A_380 : f32 to vector<16xf32>
        %add3A_607 = arith.addf %broadcast_in_dim3A_605, %add3A_606 : vector<16xf32>
        tpu.vector_store_idx %arg16[%add3A_603], %add3A_607 masked %eq3A_2 : memref<128xf32, #tpu.memory_space<vmem>>[vector<16xi32>], vector<16xf32>, vector<16xi1>
        %broadcast_in_dim3A_608 = arith.constant 0 : i32
        %broadcast_in_dim3A_609 = vector.broadcast %broadcast_in_dim3A_608 : i32 to vector<16xi32>
        %add3A_610 = vector.broadcast %scan3A_353 : i32 to vector<16xi32>
        %add3A_611 = arith.addi %broadcast_in_dim3A_609, %add3A_610 : vector<16xi32>
        %broadcast_in_dim3A_612 = arith.constant 0 : i32
        %broadcast_in_dim3A_613 = vector.broadcast %broadcast_in_dim3A_612 : i32 to vector<16xi32>
        %add3A_614 = vector.broadcast %add3A_599 : i32 to vector<16xi32>
        %add3A_615 = arith.addi %broadcast_in_dim3A_613, %add3A_614 : vector<16xi32>
        tpu.vector_store_idx %arg17[%add3A_611], %add3A_615 masked %eq3A_2 : memref<128xi32, #tpu.memory_space<vmem>>[vector<16xi32>], vector<16xi32>, vector<16xi1>
        %broadcast_in_dim3A_616 = arith.constant 0 : i32
        %broadcast_in_dim3A_617 = vector.broadcast %broadcast_in_dim3A_616 : i32 to vector<16xi32>
        %add3A_618 = vector.broadcast %add3A_599 : i32 to vector<16xi32>
        %add3A_619 = arith.addi %broadcast_in_dim3A_617, %add3A_618 : vector<16xi32>
        %broadcast_in_dim3A_620 = arith.constant 0.000000e+00 : f32
        %broadcast_in_dim3A_621 = vector.broadcast %broadcast_in_dim3A_620 : f32 to vector<16xf32>
        %add3A_622 = arith.constant -2.000000e+00 : f32
        %add3A_623 = vector.broadcast %add3A_622 : f32 to vector<16xf32>
        %add3A_624 = arith.addf %broadcast_in_dim3A_621, %add3A_623 : vector<16xf32>
        tpu.vector_store_idx %arg11[%add3A_619], %add3A_624 masked %eq3A_2 : memref<20480xf32, #tpu.memory_space<vmem>>[vector<16xi32>], vector<16xf32>, vector<16xi1>
        %add3A_625 = arith.constant 0 : i32
        %add3A_626 = arith.addi %mul3A_461, %add3A_625 : i32
        %get3A_627 = arith.index_cast %add3A_626 : i32 to index
        %get3A_628 = tpu.vector_load %arg11[%get3A_627] {strides = array<i32>} : memref<20480xf32, #tpu.memory_space<vmem>>, vector<16xf32>,
        %add3A_629 = arith.constant 16 : i32
        %add3A_630 = arith.addi %mul3A_461, %add3A_629 : i32
        %get3A_631 = arith.index_cast %add3A_630 : i32 to index
        %get3A_632 = tpu.vector_load %arg11[%get3A_631] {strides = array<i32>} : memref<20480xf32, #tpu.memory_space<vmem>>, vector<16xf32>,
        %add3A_633 = arith.constant 32 : i32
        %add3A_634 = arith.addi %mul3A_461, %add3A_633 : i32
        %get3A_635 = arith.index_cast %add3A_634 : i32 to index
        %get3A_636 = tpu.vector_load %arg11[%get3A_635] {strides = array<i32>} : memref<20480xf32, #tpu.memory_space<vmem>>, vector<16xf32>,
        %add3A_637 = arith.constant 48 : i32
        %add3A_638 = arith.addi %mul3A_461, %add3A_637 : i32
        %get3A_639 = arith.index_cast %add3A_638 : i32 to index
        %get3A_640 = tpu.vector_load %arg11[%get3A_639] {strides = array<i32>} : memref<20480xf32, #tpu.memory_space<vmem>>, vector<16xf32>,
        %add3A_641 = arith.constant 64 : i32
        %add3A_642 = arith.addi %mul3A_461, %add3A_641 : i32
        %get3A_643 = arith.index_cast %add3A_642 : i32 to index
        %get3A_644 = tpu.vector_load %arg11[%get3A_643] {strides = array<i32>} : memref<20480xf32, #tpu.memory_space<vmem>>, vector<16xf32>,
        %add3A_645 = arith.constant 80 : i32
        %add3A_646 = arith.addi %mul3A_461, %add3A_645 : i32
        %get3A_647 = arith.index_cast %add3A_646 : i32 to index
        %get3A_648 = tpu.vector_load %arg11[%get3A_647] {strides = array<i32>} : memref<20480xf32, #tpu.memory_space<vmem>>, vector<16xf32>,
        %add3A_649 = arith.constant 96 : i32
        %add3A_650 = arith.addi %mul3A_461, %add3A_649 : i32
        %get3A_651 = arith.index_cast %add3A_650 : i32 to index
        %get3A_652 = tpu.vector_load %arg11[%get3A_651] {strides = array<i32>} : memref<20480xf32, #tpu.memory_space<vmem>>, vector<16xf32>,
        %add3A_653 = arith.constant 112 : i32
        %add3A_654 = arith.addi %mul3A_461, %add3A_653 : i32
        %get3A_655 = arith.index_cast %add3A_654 : i32 to index
        %get3A_656 = tpu.vector_load %arg11[%get3A_655] {strides = array<i32>} : memref<20480xf32, #tpu.memory_space<vmem>>, vector<16xf32>,
        %add3A_657 = arith.constant 128 : i32
        %add3A_658 = arith.addi %mul3A_461, %add3A_657 : i32
        %get3A_659 = arith.index_cast %add3A_658 : i32 to index
        %get3A_660 = tpu.vector_load %arg11[%get3A_659] {strides = array<i32>} : memref<20480xf32, #tpu.memory_space<vmem>>, vector<16xf32>,
        %add3A_661 = arith.constant 144 : i32
        %add3A_662 = arith.addi %mul3A_461, %add3A_661 : i32
        %get3A_663 = arith.index_cast %add3A_662 : i32 to index
        %get3A_664 = tpu.vector_load %arg11[%get3A_663] {strides = array<i32>} : memref<20480xf32, #tpu.memory_space<vmem>>, vector<16xf32>,
        %max3A_665 = arith.maximumf %get3A_628, %get3A_632 : vector<16xf32>
        %max3A_666 = arith.maximumf %get3A_636, %get3A_640 : vector<16xf32>
        %max3A_667 = arith.maximumf %get3A_644, %get3A_648 : vector<16xf32>
        %max3A_668 = arith.maximumf %get3A_652, %get3A_656 : vector<16xf32>
        %max3A_669 = arith.maximumf %get3A_660, %get3A_664 : vector<16xf32>
        %max3A_670 = arith.maximumf %max3A_665, %max3A_666 : vector<16xf32>
        %max3A_671 = arith.maximumf %max3A_667, %max3A_668 : vector<16xf32>
        %max3A_672 = arith.maximumf %max3A_670, %max3A_671 : vector<16xf32>
        %max3A_673 = arith.maximumf %max3A_672, %max3A_669 : vector<16xf32>
        %reduce_max3A_674 = arith.constant true
        %reduce_max3A_675 = vector.broadcast %reduce_max3A_674 : i1 to vector<16xi1>
        %reduce_max3A_676 = tpu.scan <max>, %max3A_673 masked %reduce_max3A_675 : vector<16xf32>, vector<16xi1> -> vector<16xf32>
        %reduce_max3A_677 = vector.extract %reduce_max3A_676[15] : f32 from vector<16xf32>
        %broadcast_in_dim3A_678 = arith.constant 0 : i32
        %broadcast_in_dim3A_679 = vector.broadcast %broadcast_in_dim3A_678 : i32 to vector<16xi32>
        %add3A_680 = vector.broadcast %reduce_min3A_459 : i32 to vector<16xi32>
        %add3A_681 = arith.addi %broadcast_in_dim3A_679, %add3A_680 : vector<16xi32>
        %broadcast_in_dim3A_682 = arith.constant 0.000000e+00 : f32
        %broadcast_in_dim3A_683 = vector.broadcast %broadcast_in_dim3A_682 : f32 to vector<16xf32>
        %add3A_684 = vector.broadcast %reduce_max3A_677 : f32 to vector<16xf32>
        %add3A_685 = arith.addf %broadcast_in_dim3A_683, %add3A_684 : vector<16xf32>
        tpu.vector_store_idx %arg15[%add3A_681], %add3A_685 masked %eq3A_2 : memref<128xf32, #tpu.memory_space<vmem>>[vector<16xi32>], vector<16xf32>, vector<16xi1>
        %scan3A_686 = arith.constant 0 : i32
        scf.yield %scan3A_686 : i32
      }
      %scan3A_17 = arith.constant 128 : i32
      %scan3A_18 = arith.constant 0 : i32
      %scan3A_19 = arith.constant 0 : i32
      %scan3A_20 = arith.constant 8 : i32
      %scan3A_21 = arith.addi %scan3A_19, %scan3A_20 : i32
      %scan3A_22 = arith.constant 1 : i32
      %scan3A_23 = scf.for %scan3A_25 = %scan3A_19 to %scan3A_21 step %scan3A_22 iter_args(%scan3A_26 = %scan3A_18) -> (i32)  : i32 {
        %mul3A_27 = arith.constant 16 : i32
        %mul3A_28 = arith.muli %scan3A_25, %mul3A_27 : i32
        %get3A = arith.index_cast %mul3A_28 : i32 to index
        %get3A_29 = tpu.vector_load %arg17[%get3A] {strides = array<i32>} : memref<128xi32, #tpu.memory_space<vmem>>, vector<16xi32>,
        %gather3A = tpu.vector_load_idx %arg12[%get3A_29] : memref<20480xi32, #tpu.memory_space<vmem>>[vector<16xi32>], vector<16xi32>,
        %swap3A = arith.index_cast %mul3A_28 : i32 to index
        %swap3A_30 = tpu.vector_load %arg18[%swap3A] {strides = array<i32>} : memref<128xi32, #tpu.memory_space<vmem>>, vector<16xi32>,
        tpu.vector_store %arg18[%swap3A], %gather3A {strides = array<i32>} : memref<128xi32, #tpu.memory_space<vmem>>, vector<16xi32>,
        %gather3A_31 = tpu.vector_load_idx %arg13[%get3A_29] : memref<20480xf32, #tpu.memory_space<vmem>>[vector<16xi32>], vector<16xf32>,
        %swap3A_32 = arith.index_cast %mul3A_28 : i32 to index
        %swap3A_33 = tpu.vector_load %arg19[%swap3A_32] {strides = array<i32>} : memref<128xf32, #tpu.memory_space<vmem>>, vector<16xf32>,
        tpu.vector_store %arg19[%swap3A_32], %gather3A_31 {strides = array<i32>} : memref<128xf32, #tpu.memory_space<vmem>>, vector<16xf32>,
        %gather3A_34 = tpu.vector_load_idx %arg14[%get3A_29] : memref<20480xi32, #tpu.memory_space<vmem>>[vector<16xi32>], vector<16xi32>,
        %swap3A_35 = arith.index_cast %mul3A_28 : i32 to index
        %swap3A_36 = tpu.vector_load %arg20[%swap3A_35] {strides = array<i32>} : memref<128xi32, #tpu.memory_space<vmem>>, vector<16xi32>,
        tpu.vector_store %arg20[%swap3A_35], %gather3A_34 {strides = array<i32>} : memref<128xi32, #tpu.memory_space<vmem>>, vector<16xi32>,
        %scan3A_37 = arith.constant 0 : i32
        scf.yield %scan3A_37 : i32
      }
      %scan3A_24 = arith.constant 8 : i32
      "tpu.region"() ({
        %run_scoped3A = tpu.sem_alloc : memref<!tpu.dma_semaphore, #tpu.memory_space<semaphore_mem>>
        %dma_start3A = arith.constant 0 : i32
        %dma_start3A_25 = tpu.memref_slice %arg6[%add3A, %dma_start3A] : memref<4x128xf32, #tpu.memory_space<hbm>> -> memref<1x128xf32, #tpu.memory_space<hbm>>
        %dma_start3A_26 = tpu.memref_squeeze %dma_start3A_25 : memref<1x128xf32, #tpu.memory_space<hbm>> -> memref<128xf32, #tpu.memory_space<hbm>>
        %dma_start3A_27 = arith.constant 0 : i32
        %dma_start3A_28 = tpu.memref_slice %arg6[%add3A, %dma_start3A_27] : memref<4x128xf32, #tpu.memory_space<hbm>> -> memref<1x128xf32, #tpu.memory_space<hbm>>
        %dma_start3A_29 = tpu.memref_squeeze %dma_start3A_28 : memref<1x128xf32, #tpu.memory_space<hbm>> -> memref<128xf32, #tpu.memory_space<hbm>>
        tpu.enqueue_dma source(%arg16 : memref<128xf32, #tpu.memory_space<vmem>>) target(%dma_start3A_29 : memref<128xf32, #tpu.memory_space<hbm>>) target_semaphore(%run_scoped3A : memref<!tpu.dma_semaphore, #tpu.memory_space<semaphore_mem>>)
        %dma_wait3A = arith.constant 0 : i32
        %dma_wait3A_30 = tpu.memref_slice %arg6[%add3A, %dma_wait3A] : memref<4x128xf32, #tpu.memory_space<hbm>> -> memref<1x128xf32, #tpu.memory_space<hbm>>
        %dma_wait3A_31 = tpu.memref_squeeze %dma_wait3A_30 : memref<1x128xf32, #tpu.memory_space<hbm>> -> memref<128xf32, #tpu.memory_space<hbm>>
        %dma_wait3A_32 = arith.constant 0 : i32
        %dma_wait3A_33 = tpu.memref_slice %arg6[%add3A, %dma_wait3A_32] : memref<4x128xf32, #tpu.memory_space<hbm>> -> memref<1x128xf32, #tpu.memory_space<hbm>>
        %dma_wait3A_34 = tpu.memref_squeeze %dma_wait3A_33 : memref<1x128xf32, #tpu.memory_space<hbm>> -> memref<128xf32, #tpu.memory_space<hbm>>
        tpu.wait_dma2 semaphore(%run_scoped3A : memref<!tpu.dma_semaphore, #tpu.memory_space<semaphore_mem>>) src(%arg16 : memref<128xf32, #tpu.memory_space<vmem>>) dst(%dma_wait3A_34 : memref<128xf32, #tpu.memory_space<hbm>>)
        tpu.yield
      }) : () -> ()
      "tpu.region"() ({
        %run_scoped3A = tpu.sem_alloc : memref<!tpu.dma_semaphore, #tpu.memory_space<semaphore_mem>>
        %dma_start3A = arith.constant 0 : i32
        %dma_start3A_25 = tpu.memref_slice %arg7[%add3A, %dma_start3A] : memref<4x128xi32, #tpu.memory_space<hbm>> -> memref<1x128xi32, #tpu.memory_space<hbm>>
        %dma_start3A_26 = tpu.memref_squeeze %dma_start3A_25 : memref<1x128xi32, #tpu.memory_space<hbm>> -> memref<128xi32, #tpu.memory_space<hbm>>
        %dma_start3A_27 = arith.constant 0 : i32
        %dma_start3A_28 = tpu.memref_slice %arg7[%add3A, %dma_start3A_27] : memref<4x128xi32, #tpu.memory_space<hbm>> -> memref<1x128xi32, #tpu.memory_space<hbm>>
        %dma_start3A_29 = tpu.memref_squeeze %dma_start3A_28 : memref<1x128xi32, #tpu.memory_space<hbm>> -> memref<128xi32, #tpu.memory_space<hbm>>
        tpu.enqueue_dma source(%arg17 : memref<128xi32, #tpu.memory_space<vmem>>) target(%dma_start3A_29 : memref<128xi32, #tpu.memory_space<hbm>>) target_semaphore(%run_scoped3A : memref<!tpu.dma_semaphore, #tpu.memory_space<semaphore_mem>>)
        %dma_wait3A = arith.constant 0 : i32
        %dma_wait3A_30 = tpu.memref_slice %arg7[%add3A, %dma_wait3A] : memref<4x128xi32, #tpu.memory_space<hbm>> -> memref<1x128xi32, #tpu.memory_space<hbm>>
        %dma_wait3A_31 = tpu.memref_squeeze %dma_wait3A_30 : memref<1x128xi32, #tpu.memory_space<hbm>> -> memref<128xi32, #tpu.memory_space<hbm>>
        %dma_wait3A_32 = arith.constant 0 : i32
        %dma_wait3A_33 = tpu.memref_slice %arg7[%add3A, %dma_wait3A_32] : memref<4x128xi32, #tpu.memory_space<hbm>> -> memref<1x128xi32, #tpu.memory_space<hbm>>
        %dma_wait3A_34 = tpu.memref_squeeze %dma_wait3A_33 : memref<1x128xi32, #tpu.memory_space<hbm>> -> memref<128xi32, #tpu.memory_space<hbm>>
        tpu.wait_dma2 semaphore(%run_scoped3A : memref<!tpu.dma_semaphore, #tpu.memory_space<semaphore_mem>>) src(%arg17 : memref<128xi32, #tpu.memory_space<vmem>>) dst(%dma_wait3A_34 : memref<128xi32, #tpu.memory_space<hbm>>)
        tpu.yield
      }) : () -> ()
      "tpu.region"() ({
        %run_scoped3A = tpu.sem_alloc : memref<!tpu.dma_semaphore, #tpu.memory_space<semaphore_mem>>
        %dma_start3A = arith.constant 0 : i32
        %dma_start3A_25 = tpu.memref_slice %arg8[%add3A, %dma_start3A] : memref<4x128xi32, #tpu.memory_space<hbm>> -> memref<1x128xi32, #tpu.memory_space<hbm>>
        %dma_start3A_26 = tpu.memref_squeeze %dma_start3A_25 : memref<1x128xi32, #tpu.memory_space<hbm>> -> memref<128xi32, #tpu.memory_space<hbm>>
        %dma_start3A_27 = arith.constant 0 : i32
        %dma_start3A_28 = tpu.memref_slice %arg8[%add3A, %dma_start3A_27] : memref<4x128xi32, #tpu.memory_space<hbm>> -> memref<1x128xi32, #tpu.memory_space<hbm>>
        %dma_start3A_29 = tpu.memref_squeeze %dma_start3A_28 : memref<1x128xi32, #tpu.memory_space<hbm>> -> memref<128xi32, #tpu.memory_space<hbm>>
        tpu.enqueue_dma source(%arg18 : memref<128xi32, #tpu.memory_space<vmem>>) target(%dma_start3A_29 : memref<128xi32, #tpu.memory_space<hbm>>) target_semaphore(%run_scoped3A : memref<!tpu.dma_semaphore, #tpu.memory_space<semaphore_mem>>)
        %dma_wait3A = arith.constant 0 : i32
        %dma_wait3A_30 = tpu.memref_slice %arg8[%add3A, %dma_wait3A] : memref<4x128xi32, #tpu.memory_space<hbm>> -> memref<1x128xi32, #tpu.memory_space<hbm>>
        %dma_wait3A_31 = tpu.memref_squeeze %dma_wait3A_30 : memref<1x128xi32, #tpu.memory_space<hbm>> -> memref<128xi32, #tpu.memory_space<hbm>>
        %dma_wait3A_32 = arith.constant 0 : i32
        %dma_wait3A_33 = tpu.memref_slice %arg8[%add3A, %dma_wait3A_32] : memref<4x128xi32, #tpu.memory_space<hbm>> -> memref<1x128xi32, #tpu.memory_space<hbm>>
        %dma_wait3A_34 = tpu.memref_squeeze %dma_wait3A_33 : memref<1x128xi32, #tpu.memory_space<hbm>> -> memref<128xi32, #tpu.memory_space<hbm>>
        tpu.wait_dma2 semaphore(%run_scoped3A : memref<!tpu.dma_semaphore, #tpu.memory_space<semaphore_mem>>) src(%arg18 : memref<128xi32, #tpu.memory_space<vmem>>) dst(%dma_wait3A_34 : memref<128xi32, #tpu.memory_space<hbm>>)
        tpu.yield
      }) : () -> ()
      "tpu.region"() ({
        %run_scoped3A = tpu.sem_alloc : memref<!tpu.dma_semaphore, #tpu.memory_space<semaphore_mem>>
        %dma_start3A = arith.constant 0 : i32
        %dma_start3A_25 = tpu.memref_slice %arg9[%add3A, %dma_start3A] : memref<4x128xf32, #tpu.memory_space<hbm>> -> memref<1x128xf32, #tpu.memory_space<hbm>>
        %dma_start3A_26 = tpu.memref_squeeze %dma_start3A_25 : memref<1x128xf32, #tpu.memory_space<hbm>> -> memref<128xf32, #tpu.memory_space<hbm>>
        %dma_start3A_27 = arith.constant 0 : i32
        %dma_start3A_28 = tpu.memref_slice %arg9[%add3A, %dma_start3A_27] : memref<4x128xf32, #tpu.memory_space<hbm>> -> memref<1x128xf32, #tpu.memory_space<hbm>>
        %dma_start3A_29 = tpu.memref_squeeze %dma_start3A_28 : memref<1x128xf32, #tpu.memory_space<hbm>> -> memref<128xf32, #tpu.memory_space<hbm>>
        tpu.enqueue_dma source(%arg19 : memref<128xf32, #tpu.memory_space<vmem>>) target(%dma_start3A_29 : memref<128xf32, #tpu.memory_space<hbm>>) target_semaphore(%run_scoped3A : memref<!tpu.dma_semaphore, #tpu.memory_space<semaphore_mem>>)
        %dma_wait3A = arith.constant 0 : i32
        %dma_wait3A_30 = tpu.memref_slice %arg9[%add3A, %dma_wait3A] : memref<4x128xf32, #tpu.memory_space<hbm>> -> memref<1x128xf32, #tpu.memory_space<hbm>>
        %dma_wait3A_31 = tpu.memref_squeeze %dma_wait3A_30 : memref<1x128xf32, #tpu.memory_space<hbm>> -> memref<128xf32, #tpu.memory_space<hbm>>
        %dma_wait3A_32 = arith.constant 0 : i32
        %dma_wait3A_33 = tpu.memref_slice %arg9[%add3A, %dma_wait3A_32] : memref<4x128xf32, #tpu.memory_space<hbm>> -> memref<1x128xf32, #tpu.memory_space<hbm>>
        %dma_wait3A_34 = tpu.memref_squeeze %dma_wait3A_33 : memref<1x128xf32, #tpu.memory_space<hbm>> -> memref<128xf32, #tpu.memory_space<hbm>>
        tpu.wait_dma2 semaphore(%run_scoped3A : memref<!tpu.dma_semaphore, #tpu.memory_space<semaphore_mem>>) src(%arg19 : memref<128xf32, #tpu.memory_space<vmem>>) dst(%dma_wait3A_34 : memref<128xf32, #tpu.memory_space<hbm>>)
        tpu.yield
      }) : () -> ()
      "tpu.region"() ({
        %run_scoped3A = tpu.sem_alloc : memref<!tpu.dma_semaphore, #tpu.memory_space<semaphore_mem>>
        %dma_start3A = arith.constant 0 : i32
        %dma_start3A_25 = tpu.memref_slice %arg10[%add3A, %dma_start3A] : memref<4x128xi32, #tpu.memory_space<hbm>> -> memref<1x128xi32, #tpu.memory_space<hbm>>
        %dma_start3A_26 = tpu.memref_squeeze %dma_start3A_25 : memref<1x128xi32, #tpu.memory_space<hbm>> -> memref<128xi32, #tpu.memory_space<hbm>>
        %dma_start3A_27 = arith.constant 0 : i32
        %dma_start3A_28 = tpu.memref_slice %arg10[%add3A, %dma_start3A_27] : memref<4x128xi32, #tpu.memory_space<hbm>> -> memref<1x128xi32, #tpu.memory_space<hbm>>
        %dma_start3A_29 = tpu.memref_squeeze %dma_start3A_28 : memref<1x128xi32, #tpu.memory_space<hbm>> -> memref<128xi32, #tpu.memory_space<hbm>>
        tpu.enqueue_dma source(%arg20 : memref<128xi32, #tpu.memory_space<vmem>>) target(%dma_start3A_29 : memref<128xi32, #tpu.memory_space<hbm>>) target_semaphore(%run_scoped3A : memref<!tpu.dma_semaphore, #tpu.memory_space<semaphore_mem>>)
        %dma_wait3A = arith.constant 0 : i32
        %dma_wait3A_30 = tpu.memref_slice %arg10[%add3A, %dma_wait3A] : memref<4x128xi32, #tpu.memory_space<hbm>> -> memref<1x128xi32, #tpu.memory_space<hbm>>
        %dma_wait3A_31 = tpu.memref_squeeze %dma_wait3A_30 : memref<1x128xi32, #tpu.memory_space<hbm>> -> memref<128xi32, #tpu.memory_space<hbm>>
        %dma_wait3A_32 = arith.constant 0 : i32
        %dma_wait3A_33 = tpu.memref_slice %arg10[%add3A, %dma_wait3A_32] : memref<4x128xi32, #tpu.memory_space<hbm>> -> memref<1x128xi32, #tpu.memory_space<hbm>>
        %dma_wait3A_34 = tpu.memref_squeeze %dma_wait3A_33 : memref<1x128xi32, #tpu.memory_space<hbm>> -> memref<128xi32, #tpu.memory_space<hbm>>
        tpu.wait_dma2 semaphore(%run_scoped3A : memref<!tpu.dma_semaphore, #tpu.memory_space<semaphore_mem>>) src(%arg20 : memref<128xi32, #tpu.memory_space<vmem>>) dst(%dma_wait3A_34 : memref<128xi32, #tpu.memory_space<hbm>>)
        tpu.yield
      }) : () -> ()
    } else {
    }
    return
  }
}

module attributes {stable_mosaic.version = 14 : i64} {
  func.func @_gather_rows_tc_body(%arg0: i32, %arg1: i32, %arg2: memref<1x1x128xi32, #tpu.memory_space<vmem>>, %arg3: memref<1x1x128xi32, #tpu.memory_space<vmem>>, %arg4: memref<1x8x2048xf32, #tpu.memory_space<vmem>>, %arg5: memref<1x8x128xf32, #tpu.memory_space<vmem>>, %arg6: memref<1x8x128xf32, #tpu.memory_space<vmem>>, %arg7: memref<1x8x128xf32, #tpu.memory_space<vmem>>) attributes {dimension_semantics = [#tpu.dimension_semantics<arbitrary>, #tpu.dimension_semantics<arbitrary>], iteration_bounds = array<i64: 4, 10>, scalar_prefetch = 0 : i64, scratch_operands = 0 : i64, tpu.core_type = #tpu.core_type<tc>, window_params = [{transform_indices = @transform_0, window_bounds = array<i64: 1, 1, 128>}, {transform_indices = @transform_1, window_bounds = array<i64: 1, 1, 128>}, {transform_indices = @transform_2, window_bounds = array<i64: 1, 8, 2048>}, {transform_indices = @transform_3, window_bounds = array<i64: 1, 8, 128>}, {transform_indices = @transform_4, window_bounds = array<i64: 1, 8, 128>}, {transform_indices = @transform_5, window_bounds = array<i64: 1, 8, 128>}]} {
    %iota3A = tpu.iota {dimensions = array<i32: 0>} : vector<2048x128xi32>
    %mul3A = arith.constant 2048 : i32
    %mul3A_0 = arith.muli %arg1, %mul3A : i32
    %add3A = vector.broadcast %mul3A_0 : i32 to vector<2048x128xi32>
    %add3A_1 = arith.addi %iota3A, %add3A : vector<2048x128xi32>
    %get3A = arith.constant 0 : index
    %get3A_2 = arith.constant 0 : index
    %get3A_3 = arith.constant 0 : index
    %get3A_4 = vector.load %arg2[%get3A, %get3A_2, %get3A_3] : memref<1x1x128xi32, #tpu.memory_space<vmem>>, vector<1x1x128xi32>
    %get3A_5 = vector.shape_cast %get3A_4 : vector<1x1x128xi32> to vector<1x128xi32>
    %eq3A = vector.broadcast %get3A_5 : vector<1x128xi32> to vector<2048x128xi32>
    %eq3A_6 = arith.cmpi eq, %add3A_1, %eq3A : vector<2048x128xi32>
    %jit3A = arith.constant 1.000000e+00 : f32
    %jit3A_7 = arith.constant 0.000000e+00 : f32
    %broadcast_in_dim3A = vector.broadcast %jit3A : f32 to vector<2048x128xf32>
    %broadcast_in_dim3A_8 = vector.broadcast %jit3A_7 : f32 to vector<2048x128xf32>
    %select_n3A = arith.select %eq3A_6, %broadcast_in_dim3A, %broadcast_in_dim3A_8 : vector<2048x128xi1>, vector<2048x128xf32>
    %get3A_9 = arith.constant 0 : index
    %get3A_10 = arith.constant 0 : index
    %get3A_11 = arith.constant 0 : index
    %get3A_12 = vector.load %arg4[%get3A_9, %get3A_10, %get3A_11] : memref<1x8x2048xf32, #tpu.memory_space<vmem>>, vector<1x8x2048xf32>
    %get3A_13 = vector.shape_cast %get3A_12 : vector<1x8x2048xf32> to vector<8x2048xf32>
    %dot_general3A = arith.constant dense<0.000000e+00> : vector<8x128xf32>
    %dot_general3A_14 = tpu.matmul %get3A_13, %select_n3A, %dot_general3A {dimension_numbers = #tpu.dot_dimension_numbers<[1], [0], [0], [1], [0, 0, 1, 1], [], []>, precision = #tpu.contract_precision<fp32>, transpose_lhs_hint = false} : vector<8x2048xf32>, vector<2048x128xf32>, vector<8x128xf32> -> vector<8x128xf32>
    %eq3A_15 = arith.constant 0 : i32
    %eq3A_16 = arith.cmpi eq, %arg1, %eq3A_15 : i32
    %convert_element_type3A = arith.extui %eq3A_16 : i1 to i32
    %cond3A = arith.constant 0 : i32
    %cond3A_17 = arith.cmpi ne, %convert_element_type3A, %cond3A : i32
    scf.if %cond3A_17 {
      %iota3A_22 = tpu.iota {dimensions = array<i32: 0>} : vector<128x128xi32>
      %get3A_23 = arith.constant 0 : index
      %get3A_24 = arith.constant 0 : index
      %get3A_25 = arith.constant 0 : index
      %get3A_26 = vector.load %arg3[%get3A_23, %get3A_24, %get3A_25] : memref<1x1x128xi32, #tpu.memory_space<vmem>>, vector<1x1x128xi32>
      %get3A_27 = vector.shape_cast %get3A_26 : vector<1x1x128xi32> to vector<1x128xi32>
      %eq3A_28 = vector.broadcast %get3A_27 : vector<1x128xi32> to vector<128x128xi32>
      %eq3A_29 = arith.cmpi eq, %iota3A_22, %eq3A_28 : vector<128x128xi32>
      %jit3A_30 = arith.constant 1.000000e+00 : f32
      %jit3A_31 = arith.constant 0.000000e+00 : f32
      %broadcast_in_dim3A_32 = vector.broadcast %jit3A_30 : f32 to vector<128x128xf32>
      %broadcast_in_dim3A_33 = vector.broadcast %jit3A_31 : f32 to vector<128x128xf32>
      %select_n3A_34 = arith.select %eq3A_29, %broadcast_in_dim3A_32, %broadcast_in_dim3A_33 : vector<128x128xi1>, vector<128x128xf32>
      %get3A_35 = arith.constant 0 : index
      %get3A_36 = arith.constant 0 : index
      %get3A_37 = arith.constant 0 : index
      %get3A_38 = vector.load %arg5[%get3A_35, %get3A_36, %get3A_37] : memref<1x8x128xf32, #tpu.memory_space<vmem>>, vector<1x8x128xf32>
      %get3A_39 = vector.shape_cast %get3A_38 : vector<1x8x128xf32> to vector<8x128xf32>
      %dot_general3A_40 = arith.constant dense<0.000000e+00> : vector<8x128xf32>
      %dot_general3A_41 = tpu.matmul %get3A_39, %select_n3A_34, %dot_general3A_40 {dimension_numbers = #tpu.dot_dimension_numbers<[1], [0], [0], [1], [0, 0, 1, 1], [], []>, precision = #tpu.contract_precision<fp32>, transpose_lhs_hint = false} : vector<8x128xf32>, vector<128x128xf32>, vector<8x128xf32> -> vector<8x128xf32>
      %swap3A = arith.constant 0 : index
      %swap3A_42 = arith.constant 0 : index
      %swap3A_43 = arith.constant 0 : index
      %swap3A_44 = vector.load %arg7[%swap3A, %swap3A_42, %swap3A_43] : memref<1x8x128xf32, #tpu.memory_space<vmem>>, vector<1x8x128xf32>
      %swap3A_45 = vector.shape_cast %swap3A_44 : vector<1x8x128xf32> to vector<8x128xf32>
      %swap3A_46 = vector.shape_cast %dot_general3A_41 : vector<8x128xf32> to vector<1x8x128xf32>
      tpu.vector_store %arg7[%swap3A, %swap3A_42, %swap3A_43], %swap3A_46 {strides = array<i32>} : memref<1x8x128xf32, #tpu.memory_space<vmem>>, vector<1x8x128xf32>,
      %swap3A_47 = arith.constant 0 : index
      %swap3A_48 = arith.constant 0 : index
      %swap3A_49 = arith.constant 0 : index
      %swap3A_50 = vector.load %arg6[%swap3A_47, %swap3A_48, %swap3A_49] : memref<1x8x128xf32, #tpu.memory_space<vmem>>, vector<1x8x128xf32>
      %swap3A_51 = vector.shape_cast %swap3A_50 : vector<1x8x128xf32> to vector<8x128xf32>
      %swap3A_52 = vector.shape_cast %dot_general3A_14 : vector<8x128xf32> to vector<1x8x128xf32>
      tpu.vector_store %arg6[%swap3A_47, %swap3A_48, %swap3A_49], %swap3A_52 {strides = array<i32>} : memref<1x8x128xf32, #tpu.memory_space<vmem>>, vector<1x8x128xf32>,
    } else {
    }
    %ne3A = arith.constant 0 : i32
    %ne3A_18 = arith.cmpi ne, %arg1, %ne3A : i32
    %convert_element_type3A_19 = arith.extui %ne3A_18 : i1 to i32
    %cond3A_20 = arith.constant 0 : i32
    %cond3A_21 = arith.cmpi ne, %convert_element_type3A_19, %cond3A_20 : i32
    scf.if %cond3A_21 {
      %get3A_22 = arith.constant 0 : index
      %get3A_23 = arith.constant 0 : index
      %get3A_24 = arith.constant 0 : index
      %get3A_25 = vector.load %arg6[%get3A_22, %get3A_23, %get3A_24] : memref<1x8x128xf32, #tpu.memory_space<vmem>>, vector<1x8x128xf32>
      %get3A_26 = vector.shape_cast %get3A_25 : vector<1x8x128xf32> to vector<8x128xf32>
      %add3A_27 = arith.addf %get3A_26, %dot_general3A_14 : vector<8x128xf32>
      %swap3A = arith.constant 0 : index
      %swap3A_28 = arith.constant 0 : index
      %swap3A_29 = arith.constant 0 : index
      %swap3A_30 = vector.load %arg6[%swap3A, %swap3A_28, %swap3A_29] : memref<1x8x128xf32, #tpu.memory_space<vmem>>, vector<1x8x128xf32>
      %swap3A_31 = vector.shape_cast %swap3A_30 : vector<1x8x128xf32> to vector<8x128xf32>
      %swap3A_32 = vector.shape_cast %add3A_27 : vector<8x128xf32> to vector<1x8x128xf32>
      tpu.vector_store %arg6[%swap3A, %swap3A_28, %swap3A_29], %swap3A_32 {strides = array<i32>} : memref<1x8x128xf32, #tpu.memory_space<vmem>>, vector<1x8x128xf32>,
    } else {
    }
    return
  }
  func.func @transform_0(%arg0: i32, %arg1: i32) -> (i32, i32, i32) {
    %c0_i32 = arith.constant 0 : i32
    %c0_i32_0 = arith.constant 0 : i32
    %c0_i32_1 = arith.constant 0 : i32
    return %arg0, %c0_i32, %c0_i32_0 : i32, i32, i32
  }
  func.func @transform_1(%arg0: i32, %arg1: i32) -> (i32, i32, i32) {
    %c0_i32 = arith.constant 0 : i32
    %c0_i32_0 = arith.constant 0 : i32
    %c0_i32_1 = arith.constant 0 : i32
    return %arg0, %c0_i32, %c0_i32_0 : i32, i32, i32
  }
  func.func @transform_2(%arg0: i32, %arg1: i32) -> (i32, i32, i32) {
    %c0_i32 = arith.constant 0 : i32
    %c0_i32_0 = arith.constant 0 : i32
    return %arg0, %c0_i32, %arg1 : i32, i32, i32
  }
  func.func @transform_3(%arg0: i32, %arg1: i32) -> (i32, i32, i32) {
    %c0_i32 = arith.constant 0 : i32
    %c0_i32_0 = arith.constant 0 : i32
    %c0_i32_1 = arith.constant 0 : i32
    return %arg0, %c0_i32, %c0_i32_0 : i32, i32, i32
  }
  func.func @transform_4(%arg0: i32, %arg1: i32) -> (i32, i32, i32) {
    %c0_i32 = arith.constant 0 : i32
    %c0_i32_0 = arith.constant 0 : i32
    %c0_i32_1 = arith.constant 0 : i32
    return %arg0, %c0_i32, %c0_i32_0 : i32, i32, i32
  }
  func.func @transform_5(%arg0: i32, %arg1: i32) -> (i32, i32, i32) {
    %c0_i32 = arith.constant 0 : i32
    %c0_i32_0 = arith.constant 0 : i32
    %c0_i32_1 = arith.constant 0 : i32
    return %arg0, %c0_i32, %c0_i32_0 : i32, i32, i32
  }
}

module attributes {stable_mosaic.version = 14 : i64} {
  func.func @_iou_argmax_tc(%arg0: i32, %arg1: i32, %arg2: memref<1x8x40x128xf32, #tpu.memory_space<vmem>>, %arg3: memref<1x8x128xf32, #tpu.memory_space<smem>>, %arg4: memref<1x40x128xf32, #tpu.memory_space<vmem>>, %arg5: memref<1x40x128xi32, #tpu.memory_space<vmem>>) attributes {dimension_semantics = [#tpu.dimension_semantics<arbitrary>, #tpu.dimension_semantics<arbitrary>], iteration_bounds = array<i64: 4, 4>, scalar_prefetch = 0 : i64, scratch_operands = 0 : i64, tpu.core_type = #tpu.core_type<tc>, window_params = [{transform_indices = @transform_0, window_bounds = array<i64: 1, 8, 40, 128>}, {transform_indices = @transform_1, window_bounds = array<i64: 1, 8, 128>}, {transform_indices = @transform_2, window_bounds = array<i64: 1, 40, 128>}, {transform_indices = @transform_3, window_bounds = array<i64: 1, 40, 128>}]} {
    %get3A = arith.constant 0 : index
    %get3A_0 = arith.constant 0 : index
    %get3A_1 = arith.constant 0 : index
    %get3A_2 = arith.constant 0 : index
    %get3A_3 = vector.load %arg2[%get3A, %get3A_0, %get3A_1, %get3A_2] : memref<1x8x40x128xf32, #tpu.memory_space<vmem>>, vector<1x1x40x128xf32>
    %get3A_4 = vector.shape_cast %get3A_3 : vector<1x1x40x128xf32> to vector<40x128xf32>
    %get3A_5 = arith.constant 0 : index
    %get3A_6 = arith.constant 1 : index
    %get3A_7 = arith.constant 0 : index
    %get3A_8 = arith.constant 0 : index
    %get3A_9 = vector.load %arg2[%get3A_5, %get3A_6, %get3A_7, %get3A_8] : memref<1x8x40x128xf32, #tpu.memory_space<vmem>>, vector<1x1x40x128xf32>
    %get3A_10 = vector.shape_cast %get3A_9 : vector<1x1x40x128xf32> to vector<40x128xf32>
    %get3A_11 = arith.constant 0 : index
    %get3A_12 = arith.constant 2 : index
    %get3A_13 = arith.constant 0 : index
    %get3A_14 = arith.constant 0 : index
    %get3A_15 = vector.load %arg2[%get3A_11, %get3A_12, %get3A_13, %get3A_14] : memref<1x8x40x128xf32, #tpu.memory_space<vmem>>, vector<1x1x40x128xf32>
    %get3A_16 = vector.shape_cast %get3A_15 : vector<1x1x40x128xf32> to vector<40x128xf32>
    %get3A_17 = arith.constant 0 : index
    %get3A_18 = arith.constant 3 : index
    %get3A_19 = arith.constant 0 : index
    %get3A_20 = arith.constant 0 : index
    %get3A_21 = vector.load %arg2[%get3A_17, %get3A_18, %get3A_19, %get3A_20] : memref<1x8x40x128xf32, #tpu.memory_space<vmem>>, vector<1x1x40x128xf32>
    %get3A_22 = vector.shape_cast %get3A_21 : vector<1x1x40x128xf32> to vector<40x128xf32>
    %get3A_23 = arith.constant 0 : index
    %get3A_24 = arith.constant 4 : index
    %get3A_25 = arith.constant 0 : index
    %get3A_26 = arith.constant 0 : index
    %get3A_27 = vector.load %arg2[%get3A_23, %get3A_24, %get3A_25, %get3A_26] : memref<1x8x40x128xf32, #tpu.memory_space<vmem>>, vector<1x1x40x128xf32>
    %get3A_28 = vector.shape_cast %get3A_27 : vector<1x1x40x128xf32> to vector<40x128xf32>
    %get3A_29 = arith.constant 0 : index
    %get3A_30 = arith.constant 5 : index
    %get3A_31 = arith.constant 0 : index
    %get3A_32 = arith.constant 0 : index
    %get3A_33 = vector.load %arg2[%get3A_29, %get3A_30, %get3A_31, %get3A_32] : memref<1x8x40x128xf32, #tpu.memory_space<vmem>>, vector<1x1x40x128xf32>
    %get3A_34 = vector.shape_cast %get3A_33 : vector<1x1x40x128xf32> to vector<40x128xf32>
    %mul3A = arith.constant 5.000000e-01 : f32
    %mul3A_35 = vector.broadcast %mul3A : f32 to vector<40x128xf32>
    %mul3A_36 = arith.mulf %get3A_22, %mul3A_35 : vector<40x128xf32>
    %add3A = arith.addf %get3A_4, %mul3A_36 : vector<40x128xf32>
    %mul3A_37 = arith.constant 5.000000e-01 : f32
    %mul3A_38 = vector.broadcast %mul3A_37 : f32 to vector<40x128xf32>
    %mul3A_39 = arith.mulf %get3A_28, %mul3A_38 : vector<40x128xf32>
    %add3A_40 = arith.addf %get3A_10, %mul3A_39 : vector<40x128xf32>
    %mul3A_41 = arith.constant 5.000000e-01 : f32
    %mul3A_42 = vector.broadcast %mul3A_41 : f32 to vector<40x128xf32>
    %mul3A_43 = arith.mulf %get3A_34, %mul3A_42 : vector<40x128xf32>
    %add3A_44 = arith.addf %get3A_16, %mul3A_43 : vector<40x128xf32>
    %mul3A_45 = arith.constant 5.000000e-01 : f32
    %mul3A_46 = vector.broadcast %mul3A_45 : f32 to vector<40x128xf32>
    %mul3A_47 = arith.mulf %get3A_22, %mul3A_46 : vector<40x128xf32>
    %sub3A = arith.subf %get3A_4, %mul3A_47 : vector<40x128xf32>
    %mul3A_48 = arith.constant 5.000000e-01 : f32
    %mul3A_49 = vector.broadcast %mul3A_48 : f32 to vector<40x128xf32>
    %mul3A_50 = arith.mulf %get3A_28, %mul3A_49 : vector<40x128xf32>
    %sub3A_51 = arith.subf %get3A_10, %mul3A_50 : vector<40x128xf32>
    %mul3A_52 = arith.constant 5.000000e-01 : f32
    %mul3A_53 = vector.broadcast %mul3A_52 : f32 to vector<40x128xf32>
    %mul3A_54 = arith.mulf %get3A_34, %mul3A_53 : vector<40x128xf32>
    %sub3A_55 = arith.subf %get3A_16, %mul3A_54 : vector<40x128xf32>
    %mul3A_56 = arith.mulf %get3A_22, %get3A_28 : vector<40x128xf32>
    %mul3A_57 = arith.mulf %mul3A_56, %get3A_34 : vector<40x128xf32>
    %broadcast_in_dim3A = arith.constant -1.000000e+00 : f32
    %broadcast_in_dim3A_58 = vector.broadcast %broadcast_in_dim3A : f32 to vector<40x128xf32>
    %broadcast_in_dim3A_59 = arith.constant 0 : i32
    %broadcast_in_dim3A_60 = vector.broadcast %broadcast_in_dim3A_59 : i32 to vector<40x128xi32>
    %scan3A = arith.constant 0 : i32
    %scan3A_61 = arith.constant 100 : i32
    %scan3A_62 = arith.addi %scan3A, %scan3A_61 : i32
    %scan3A_63 = arith.constant 10 : i32
    %scan3A_64:2 = scf.for %scan3A_89 = %scan3A to %scan3A_62 step %scan3A_63 iter_args(%scan3A_90 = %broadcast_in_dim3A_58, %scan3A_91 = %broadcast_in_dim3A_60) -> (vector<40x128xf32>, vector<40x128xi32>)  : i32 {
      %get3A_92 = arith.constant 0 : index
      %get3A_93 = arith.constant 0 : index
      %get3A_94 = arith.index_cast %scan3A_89 : i32 to index
      %get3A_95 = memref.load %arg3[%get3A_92, %get3A_93, %get3A_94] : memref<1x8x128xf32, #tpu.memory_space<smem>>
      %get3A_96 = arith.constant 0 : index
      %get3A_97 = arith.constant 1 : index
      %get3A_98 = arith.index_cast %scan3A_89 : i32 to index
      %get3A_99 = memref.load %arg3[%get3A_96, %get3A_97, %get3A_98] : memref<1x8x128xf32, #tpu.memory_space<smem>>
      %get3A_100 = arith.constant 0 : index
      %get3A_101 = arith.constant 2 : index
      %get3A_102 = arith.index_cast %scan3A_89 : i32 to index
      %get3A_103 = memref.load %arg3[%get3A_100, %get3A_101, %get3A_102] : memref<1x8x128xf32, #tpu.memory_space<smem>>
      %get3A_104 = arith.constant 0 : index
      %get3A_105 = arith.constant 3 : index
      %get3A_106 = arith.index_cast %scan3A_89 : i32 to index
      %get3A_107 = memref.load %arg3[%get3A_104, %get3A_105, %get3A_106] : memref<1x8x128xf32, #tpu.memory_space<smem>>
      %get3A_108 = arith.constant 0 : index
      %get3A_109 = arith.constant 4 : index
      %get3A_110 = arith.index_cast %scan3A_89 : i32 to index
      %get3A_111 = memref.load %arg3[%get3A_108, %get3A_109, %get3A_110] : memref<1x8x128xf32, #tpu.memory_space<smem>>
      %get3A_112 = arith.constant 0 : index
      %get3A_113 = arith.constant 5 : index
      %get3A_114 = arith.index_cast %scan3A_89 : i32 to index
      %get3A_115 = memref.load %arg3[%get3A_112, %get3A_113, %get3A_114] : memref<1x8x128xf32, #tpu.memory_space<smem>>
      %mul3A_116 = arith.constant 5.000000e-01 : f32
      %mul3A_117 = arith.mulf %get3A_107, %mul3A_116 : f32
      %add3A_118 = arith.addf %get3A_95, %mul3A_117 : f32
      %min3A = vector.broadcast %add3A_118 : f32 to vector<40x128xf32>
      %min3A_119 = arith.minimumf %add3A, %min3A : vector<40x128xf32>
      %mul3A_120 = arith.constant 5.000000e-01 : f32
      %mul3A_121 = arith.mulf %get3A_107, %mul3A_120 : f32
      %sub3A_122 = arith.subf %get3A_95, %mul3A_121 : f32
      %max3A = vector.broadcast %sub3A_122 : f32 to vector<40x128xf32>
      %max3A_123 = arith.maximumf %sub3A, %max3A : vector<40x128xf32>
      %sub3A_124 = arith.subf %min3A_119, %max3A_123 : vector<40x128xf32>
      %jit3A_125 = arith.constant 0.000000e+00 : f32
      %max3A_126 = vector.broadcast %jit3A_125 : f32 to vector<40x128xf32>
      %max3A_127 = arith.maximumf %max3A_126, %sub3A_124 : vector<40x128xf32>
      %mul3A_128 = arith.constant 5.000000e-01 : f32
      %mul3A_129 = arith.mulf %get3A_111, %mul3A_128 : f32
      %add3A_130 = arith.addf %get3A_99, %mul3A_129 : f32
      %min3A_131 = vector.broadcast %add3A_130 : f32 to vector<40x128xf32>
      %min3A_132 = arith.minimumf %add3A_40, %min3A_131 : vector<40x128xf32>
      %mul3A_133 = arith.constant 5.000000e-01 : f32
      %mul3A_134 = arith.mulf %get3A_111, %mul3A_133 : f32
      %sub3A_135 = arith.subf %get3A_99, %mul3A_134 : f32
      %max3A_136 = vector.broadcast %sub3A_135 : f32 to vector<40x128xf32>
      %max3A_137 = arith.maximumf %sub3A_51, %max3A_136 : vector<40x128xf32>
      %sub3A_138 = arith.subf %min3A_132, %max3A_137 : vector<40x128xf32>
      %jit3A_139 = arith.constant 0.000000e+00 : f32
      %max3A_140 = vector.broadcast %jit3A_139 : f32 to vector<40x128xf32>
      %max3A_141 = arith.maximumf %max3A_140, %sub3A_138 : vector<40x128xf32>
      %mul3A_142 = arith.constant 5.000000e-01 : f32
      %mul3A_143 = arith.mulf %get3A_115, %mul3A_142 : f32
      %add3A_144 = arith.addf %get3A_103, %mul3A_143 : f32
      %min3A_145 = vector.broadcast %add3A_144 : f32 to vector<40x128xf32>
      %min3A_146 = arith.minimumf %add3A_44, %min3A_145 : vector<40x128xf32>
      %mul3A_147 = arith.constant 5.000000e-01 : f32
      %mul3A_148 = arith.mulf %get3A_115, %mul3A_147 : f32
      %sub3A_149 = arith.subf %get3A_103, %mul3A_148 : f32
      %max3A_150 = vector.broadcast %sub3A_149 : f32 to vector<40x128xf32>
      %max3A_151 = arith.maximumf %sub3A_55, %max3A_150 : vector<40x128xf32>
      %sub3A_152 = arith.subf %min3A_146, %max3A_151 : vector<40x128xf32>
      %jit3A_153 = arith.constant 0.000000e+00 : f32
      %max3A_154 = vector.broadcast %jit3A_153 : f32 to vector<40x128xf32>
      %max3A_155 = arith.maximumf %max3A_154, %sub3A_152 : vector<40x128xf32>
      %mul3A_156 = arith.mulf %max3A_127, %max3A_141 : vector<40x128xf32>
      %mul3A_157 = arith.mulf %mul3A_156, %max3A_155 : vector<40x128xf32>
      %mul3A_158 = arith.mulf %get3A_107, %get3A_111 : f32
      %mul3A_159 = arith.mulf %mul3A_158, %get3A_115 : f32
      %add3A_160 = vector.broadcast %mul3A_159 : f32 to vector<40x128xf32>
      %add3A_161 = arith.addf %mul3A_57, %add3A_160 : vector<40x128xf32>
      %sub3A_162 = arith.subf %add3A_161, %mul3A_157 : vector<40x128xf32>
      %jit3A_163 = arith.constant 9.99999997E-7 : f32
      %max3A_164 = vector.broadcast %jit3A_163 : f32 to vector<40x128xf32>
      %max3A_165 = arith.maximumf %max3A_164, %sub3A_162 : vector<40x128xf32>
      %div3A = arith.divf %mul3A_157, %max3A_165 : vector<40x128xf32>
      %gt3A = arith.cmpf ogt, %div3A, %scan3A_90 : vector<40x128xf32>
      %select_n3A_166 = arith.select %gt3A, %div3A, %scan3A_90 : vector<40x128xi1>, vector<40x128xf32>
      %broadcast_in_dim3A_167 = vector.broadcast %scan3A_89 : i32 to vector<40x128xi32>
      %select_n3A_168 = arith.select %gt3A, %broadcast_in_dim3A_167, %scan3A_91 : vector<40x128xi1>, vector<40x128xi32>
      %scan3A_169 = arith.constant 1 : i32
      %scan3A_170 = arith.addi %scan3A_89, %scan3A_169 : i32
      %get3A_171 = arith.constant 0 : index
      %get3A_172 = arith.constant 0 : index
      %get3A_173 = arith.index_cast %scan3A_170 : i32 to index
      %get3A_174 = memref.load %arg3[%get3A_171, %get3A_172, %get3A_173] : memref<1x8x128xf32, #tpu.memory_space<smem>>
      %get3A_175 = arith.constant 0 : index
      %get3A_176 = arith.constant 1 : index
      %get3A_177 = arith.index_cast %scan3A_170 : i32 to index
      %get3A_178 = memref.load %arg3[%get3A_175, %get3A_176, %get3A_177] : memref<1x8x128xf32, #tpu.memory_space<smem>>
      %get3A_179 = arith.constant 0 : index
      %get3A_180 = arith.constant 2 : index
      %get3A_181 = arith.index_cast %scan3A_170 : i32 to index
      %get3A_182 = memref.load %arg3[%get3A_179, %get3A_180, %get3A_181] : memref<1x8x128xf32, #tpu.memory_space<smem>>
      %get3A_183 = arith.constant 0 : index
      %get3A_184 = arith.constant 3 : index
      %get3A_185 = arith.index_cast %scan3A_170 : i32 to index
      %get3A_186 = memref.load %arg3[%get3A_183, %get3A_184, %get3A_185] : memref<1x8x128xf32, #tpu.memory_space<smem>>
      %get3A_187 = arith.constant 0 : index
      %get3A_188 = arith.constant 4 : index
      %get3A_189 = arith.index_cast %scan3A_170 : i32 to index
      %get3A_190 = memref.load %arg3[%get3A_187, %get3A_188, %get3A_189] : memref<1x8x128xf32, #tpu.memory_space<smem>>
      %get3A_191 = arith.constant 0 : index
      %get3A_192 = arith.constant 5 : index
      %get3A_193 = arith.index_cast %scan3A_170 : i32 to index
      %get3A_194 = memref.load %arg3[%get3A_191, %get3A_192, %get3A_193] : memref<1x8x128xf32, #tpu.memory_space<smem>>
      %mul3A_195 = arith.constant 5.000000e-01 : f32
      %mul3A_196 = arith.mulf %get3A_186, %mul3A_195 : f32
      %add3A_197 = arith.addf %get3A_174, %mul3A_196 : f32
      %min3A_198 = vector.broadcast %add3A_197 : f32 to vector<40x128xf32>
      %min3A_199 = arith.minimumf %add3A, %min3A_198 : vector<40x128xf32>
      %mul3A_200 = arith.constant 5.000000e-01 : f32
      %mul3A_201 = arith.mulf %get3A_186, %mul3A_200 : f32
      %sub3A_202 = arith.subf %get3A_174, %mul3A_201 : f32
      %max3A_203 = vector.broadcast %sub3A_202 : f32 to vector<40x128xf32>
      %max3A_204 = arith.maximumf %sub3A, %max3A_203 : vector<40x128xf32>
      %sub3A_205 = arith.subf %min3A_199, %max3A_204 : vector<40x128xf32>
      %jit3A_206 = arith.constant 0.000000e+00 : f32
      %max3A_207 = vector.broadcast %jit3A_206 : f32 to vector<40x128xf32>
      %max3A_208 = arith.maximumf %max3A_207, %sub3A_205 : vector<40x128xf32>
      %mul3A_209 = arith.constant 5.000000e-01 : f32
      %mul3A_210 = arith.mulf %get3A_190, %mul3A_209 : f32
      %add3A_211 = arith.addf %get3A_178, %mul3A_210 : f32
      %min3A_212 = vector.broadcast %add3A_211 : f32 to vector<40x128xf32>
      %min3A_213 = arith.minimumf %add3A_40, %min3A_212 : vector<40x128xf32>
      %mul3A_214 = arith.constant 5.000000e-01 : f32
      %mul3A_215 = arith.mulf %get3A_190, %mul3A_214 : f32
      %sub3A_216 = arith.subf %get3A_178, %mul3A_215 : f32
      %max3A_217 = vector.broadcast %sub3A_216 : f32 to vector<40x128xf32>
      %max3A_218 = arith.maximumf %sub3A_51, %max3A_217 : vector<40x128xf32>
      %sub3A_219 = arith.subf %min3A_213, %max3A_218 : vector<40x128xf32>
      %jit3A_220 = arith.constant 0.000000e+00 : f32
      %max3A_221 = vector.broadcast %jit3A_220 : f32 to vector<40x128xf32>
      %max3A_222 = arith.maximumf %max3A_221, %sub3A_219 : vector<40x128xf32>
      %mul3A_223 = arith.constant 5.000000e-01 : f32
      %mul3A_224 = arith.mulf %get3A_194, %mul3A_223 : f32
      %add3A_225 = arith.addf %get3A_182, %mul3A_224 : f32
      %min3A_226 = vector.broadcast %add3A_225 : f32 to vector<40x128xf32>
      %min3A_227 = arith.minimumf %add3A_44, %min3A_226 : vector<40x128xf32>
      %mul3A_228 = arith.constant 5.000000e-01 : f32
      %mul3A_229 = arith.mulf %get3A_194, %mul3A_228 : f32
      %sub3A_230 = arith.subf %get3A_182, %mul3A_229 : f32
      %max3A_231 = vector.broadcast %sub3A_230 : f32 to vector<40x128xf32>
      %max3A_232 = arith.maximumf %sub3A_55, %max3A_231 : vector<40x128xf32>
      %sub3A_233 = arith.subf %min3A_227, %max3A_232 : vector<40x128xf32>
      %jit3A_234 = arith.constant 0.000000e+00 : f32
      %max3A_235 = vector.broadcast %jit3A_234 : f32 to vector<40x128xf32>
      %max3A_236 = arith.maximumf %max3A_235, %sub3A_233 : vector<40x128xf32>
      %mul3A_237 = arith.mulf %max3A_208, %max3A_222 : vector<40x128xf32>
      %mul3A_238 = arith.mulf %mul3A_237, %max3A_236 : vector<40x128xf32>
      %mul3A_239 = arith.mulf %get3A_186, %get3A_190 : f32
      %mul3A_240 = arith.mulf %mul3A_239, %get3A_194 : f32
      %add3A_241 = vector.broadcast %mul3A_240 : f32 to vector<40x128xf32>
      %add3A_242 = arith.addf %mul3A_57, %add3A_241 : vector<40x128xf32>
      %sub3A_243 = arith.subf %add3A_242, %mul3A_238 : vector<40x128xf32>
      %jit3A_244 = arith.constant 9.99999997E-7 : f32
      %max3A_245 = vector.broadcast %jit3A_244 : f32 to vector<40x128xf32>
      %max3A_246 = arith.maximumf %max3A_245, %sub3A_243 : vector<40x128xf32>
      %div3A_247 = arith.divf %mul3A_238, %max3A_246 : vector<40x128xf32>
      %gt3A_248 = arith.cmpf ogt, %div3A_247, %select_n3A_166 : vector<40x128xf32>
      %select_n3A_249 = arith.select %gt3A_248, %div3A_247, %select_n3A_166 : vector<40x128xi1>, vector<40x128xf32>
      %broadcast_in_dim3A_250 = vector.broadcast %scan3A_170 : i32 to vector<40x128xi32>
      %select_n3A_251 = arith.select %gt3A_248, %broadcast_in_dim3A_250, %select_n3A_168 : vector<40x128xi1>, vector<40x128xi32>
      %scan3A_252 = arith.constant 2 : i32
      %scan3A_253 = arith.addi %scan3A_89, %scan3A_252 : i32
      %get3A_254 = arith.constant 0 : index
      %get3A_255 = arith.constant 0 : index
      %get3A_256 = arith.index_cast %scan3A_253 : i32 to index
      %get3A_257 = memref.load %arg3[%get3A_254, %get3A_255, %get3A_256] : memref<1x8x128xf32, #tpu.memory_space<smem>>
      %get3A_258 = arith.constant 0 : index
      %get3A_259 = arith.constant 1 : index
      %get3A_260 = arith.index_cast %scan3A_253 : i32 to index
      %get3A_261 = memref.load %arg3[%get3A_258, %get3A_259, %get3A_260] : memref<1x8x128xf32, #tpu.memory_space<smem>>
      %get3A_262 = arith.constant 0 : index
      %get3A_263 = arith.constant 2 : index
      %get3A_264 = arith.index_cast %scan3A_253 : i32 to index
      %get3A_265 = memref.load %arg3[%get3A_262, %get3A_263, %get3A_264] : memref<1x8x128xf32, #tpu.memory_space<smem>>
      %get3A_266 = arith.constant 0 : index
      %get3A_267 = arith.constant 3 : index
      %get3A_268 = arith.index_cast %scan3A_253 : i32 to index
      %get3A_269 = memref.load %arg3[%get3A_266, %get3A_267, %get3A_268] : memref<1x8x128xf32, #tpu.memory_space<smem>>
      %get3A_270 = arith.constant 0 : index
      %get3A_271 = arith.constant 4 : index
      %get3A_272 = arith.index_cast %scan3A_253 : i32 to index
      %get3A_273 = memref.load %arg3[%get3A_270, %get3A_271, %get3A_272] : memref<1x8x128xf32, #tpu.memory_space<smem>>
      %get3A_274 = arith.constant 0 : index
      %get3A_275 = arith.constant 5 : index
      %get3A_276 = arith.index_cast %scan3A_253 : i32 to index
      %get3A_277 = memref.load %arg3[%get3A_274, %get3A_275, %get3A_276] : memref<1x8x128xf32, #tpu.memory_space<smem>>
      %mul3A_278 = arith.constant 5.000000e-01 : f32
      %mul3A_279 = arith.mulf %get3A_269, %mul3A_278 : f32
      %add3A_280 = arith.addf %get3A_257, %mul3A_279 : f32
      %min3A_281 = vector.broadcast %add3A_280 : f32 to vector<40x128xf32>
      %min3A_282 = arith.minimumf %add3A, %min3A_281 : vector<40x128xf32>
      %mul3A_283 = arith.constant 5.000000e-01 : f32
      %mul3A_284 = arith.mulf %get3A_269, %mul3A_283 : f32
      %sub3A_285 = arith.subf %get3A_257, %mul3A_284 : f32
      %max3A_286 = vector.broadcast %sub3A_285 : f32 to vector<40x128xf32>
      %max3A_287 = arith.maximumf %sub3A, %max3A_286 : vector<40x128xf32>
      %sub3A_288 = arith.subf %min3A_282, %max3A_287 : vector<40x128xf32>
      %jit3A_289 = arith.constant 0.000000e+00 : f32
      %max3A_290 = vector.broadcast %jit3A_289 : f32 to vector<40x128xf32>
      %max3A_291 = arith.maximumf %max3A_290, %sub3A_288 : vector<40x128xf32>
      %mul3A_292 = arith.constant 5.000000e-01 : f32
      %mul3A_293 = arith.mulf %get3A_273, %mul3A_292 : f32
      %add3A_294 = arith.addf %get3A_261, %mul3A_293 : f32
      %min3A_295 = vector.broadcast %add3A_294 : f32 to vector<40x128xf32>
      %min3A_296 = arith.minimumf %add3A_40, %min3A_295 : vector<40x128xf32>
      %mul3A_297 = arith.constant 5.000000e-01 : f32
      %mul3A_298 = arith.mulf %get3A_273, %mul3A_297 : f32
      %sub3A_299 = arith.subf %get3A_261, %mul3A_298 : f32
      %max3A_300 = vector.broadcast %sub3A_299 : f32 to vector<40x128xf32>
      %max3A_301 = arith.maximumf %sub3A_51, %max3A_300 : vector<40x128xf32>
      %sub3A_302 = arith.subf %min3A_296, %max3A_301 : vector<40x128xf32>
      %jit3A_303 = arith.constant 0.000000e+00 : f32
      %max3A_304 = vector.broadcast %jit3A_303 : f32 to vector<40x128xf32>
      %max3A_305 = arith.maximumf %max3A_304, %sub3A_302 : vector<40x128xf32>
      %mul3A_306 = arith.constant 5.000000e-01 : f32
      %mul3A_307 = arith.mulf %get3A_277, %mul3A_306 : f32
      %add3A_308 = arith.addf %get3A_265, %mul3A_307 : f32
      %min3A_309 = vector.broadcast %add3A_308 : f32 to vector<40x128xf32>
      %min3A_310 = arith.minimumf %add3A_44, %min3A_309 : vector<40x128xf32>
      %mul3A_311 = arith.constant 5.000000e-01 : f32
      %mul3A_312 = arith.mulf %get3A_277, %mul3A_311 : f32
      %sub3A_313 = arith.subf %get3A_265, %mul3A_312 : f32
      %max3A_314 = vector.broadcast %sub3A_313 : f32 to vector<40x128xf32>
      %max3A_315 = arith.maximumf %sub3A_55, %max3A_314 : vector<40x128xf32>
      %sub3A_316 = arith.subf %min3A_310, %max3A_315 : vector<40x128xf32>
      %jit3A_317 = arith.constant 0.000000e+00 : f32
      %max3A_318 = vector.broadcast %jit3A_317 : f32 to vector<40x128xf32>
      %max3A_319 = arith.maximumf %max3A_318, %sub3A_316 : vector<40x128xf32>
      %mul3A_320 = arith.mulf %max3A_291, %max3A_305 : vector<40x128xf32>
      %mul3A_321 = arith.mulf %mul3A_320, %max3A_319 : vector<40x128xf32>
      %mul3A_322 = arith.mulf %get3A_269, %get3A_273 : f32
      %mul3A_323 = arith.mulf %mul3A_322, %get3A_277 : f32
      %add3A_324 = vector.broadcast %mul3A_323 : f32 to vector<40x128xf32>
      %add3A_325 = arith.addf %mul3A_57, %add3A_324 : vector<40x128xf32>
      %sub3A_326 = arith.subf %add3A_325, %mul3A_321 : vector<40x128xf32>
      %jit3A_327 = arith.constant 9.99999997E-7 : f32
      %max3A_328 = vector.broadcast %jit3A_327 : f32 to vector<40x128xf32>
      %max3A_329 = arith.maximumf %max3A_328, %sub3A_326 : vector<40x128xf32>
      %div3A_330 = arith.divf %mul3A_321, %max3A_329 : vector<40x128xf32>
      %gt3A_331 = arith.cmpf ogt, %div3A_330, %select_n3A_249 : vector<40x128xf32>
      %select_n3A_332 = arith.select %gt3A_331, %div3A_330, %select_n3A_249 : vector<40x128xi1>, vector<40x128xf32>
      %broadcast_in_dim3A_333 = vector.broadcast %scan3A_253 : i32 to vector<40x128xi32>
      %select_n3A_334 = arith.select %gt3A_331, %broadcast_in_dim3A_333, %select_n3A_251 : vector<40x128xi1>, vector<40x128xi32>
      %scan3A_335 = arith.constant 3 : i32
      %scan3A_336 = arith.addi %scan3A_89, %scan3A_335 : i32
      %get3A_337 = arith.constant 0 : index
      %get3A_338 = arith.constant 0 : index
      %get3A_339 = arith.index_cast %scan3A_336 : i32 to index
      %get3A_340 = memref.load %arg3[%get3A_337, %get3A_338, %get3A_339] : memref<1x8x128xf32, #tpu.memory_space<smem>>
      %get3A_341 = arith.constant 0 : index
      %get3A_342 = arith.constant 1 : index
      %get3A_343 = arith.index_cast %scan3A_336 : i32 to index
      %get3A_344 = memref.load %arg3[%get3A_341, %get3A_342, %get3A_343] : memref<1x8x128xf32, #tpu.memory_space<smem>>
      %get3A_345 = arith.constant 0 : index
      %get3A_346 = arith.constant 2 : index
      %get3A_347 = arith.index_cast %scan3A_336 : i32 to index
      %get3A_348 = memref.load %arg3[%get3A_345, %get3A_346, %get3A_347] : memref<1x8x128xf32, #tpu.memory_space<smem>>
      %get3A_349 = arith.constant 0 : index
      %get3A_350 = arith.constant 3 : index
      %get3A_351 = arith.index_cast %scan3A_336 : i32 to index
      %get3A_352 = memref.load %arg3[%get3A_349, %get3A_350, %get3A_351] : memref<1x8x128xf32, #tpu.memory_space<smem>>
      %get3A_353 = arith.constant 0 : index
      %get3A_354 = arith.constant 4 : index
      %get3A_355 = arith.index_cast %scan3A_336 : i32 to index
      %get3A_356 = memref.load %arg3[%get3A_353, %get3A_354, %get3A_355] : memref<1x8x128xf32, #tpu.memory_space<smem>>
      %get3A_357 = arith.constant 0 : index
      %get3A_358 = arith.constant 5 : index
      %get3A_359 = arith.index_cast %scan3A_336 : i32 to index
      %get3A_360 = memref.load %arg3[%get3A_357, %get3A_358, %get3A_359] : memref<1x8x128xf32, #tpu.memory_space<smem>>
      %mul3A_361 = arith.constant 5.000000e-01 : f32
      %mul3A_362 = arith.mulf %get3A_352, %mul3A_361 : f32
      %add3A_363 = arith.addf %get3A_340, %mul3A_362 : f32
      %min3A_364 = vector.broadcast %add3A_363 : f32 to vector<40x128xf32>
      %min3A_365 = arith.minimumf %add3A, %min3A_364 : vector<40x128xf32>
      %mul3A_366 = arith.constant 5.000000e-01 : f32
      %mul3A_367 = arith.mulf %get3A_352, %mul3A_366 : f32
      %sub3A_368 = arith.subf %get3A_340, %mul3A_367 : f32
      %max3A_369 = vector.broadcast %sub3A_368 : f32 to vector<40x128xf32>
      %max3A_370 = arith.maximumf %sub3A, %max3A_369 : vector<40x128xf32>
      %sub3A_371 = arith.subf %min3A_365, %max3A_370 : vector<40x128xf32>
      %jit3A_372 = arith.constant 0.000000e+00 : f32
      %max3A_373 = vector.broadcast %jit3A_372 : f32 to vector<40x128xf32>
      %max3A_374 = arith.maximumf %max3A_373, %sub3A_371 : vector<40x128xf32>
      %mul3A_375 = arith.constant 5.000000e-01 : f32
      %mul3A_376 = arith.mulf %get3A_356, %mul3A_375 : f32
      %add3A_377 = arith.addf %get3A_344, %mul3A_376 : f32
      %min3A_378 = vector.broadcast %add3A_377 : f32 to vector<40x128xf32>
      %min3A_379 = arith.minimumf %add3A_40, %min3A_378 : vector<40x128xf32>
      %mul3A_380 = arith.constant 5.000000e-01 : f32
      %mul3A_381 = arith.mulf %get3A_356, %mul3A_380 : f32
      %sub3A_382 = arith.subf %get3A_344, %mul3A_381 : f32
      %max3A_383 = vector.broadcast %sub3A_382 : f32 to vector<40x128xf32>
      %max3A_384 = arith.maximumf %sub3A_51, %max3A_383 : vector<40x128xf32>
      %sub3A_385 = arith.subf %min3A_379, %max3A_384 : vector<40x128xf32>
      %jit3A_386 = arith.constant 0.000000e+00 : f32
      %max3A_387 = vector.broadcast %jit3A_386 : f32 to vector<40x128xf32>
      %max3A_388 = arith.maximumf %max3A_387, %sub3A_385 : vector<40x128xf32>
      %mul3A_389 = arith.constant 5.000000e-01 : f32
      %mul3A_390 = arith.mulf %get3A_360, %mul3A_389 : f32
      %add3A_391 = arith.addf %get3A_348, %mul3A_390 : f32
      %min3A_392 = vector.broadcast %add3A_391 : f32 to vector<40x128xf32>
      %min3A_393 = arith.minimumf %add3A_44, %min3A_392 : vector<40x128xf32>
      %mul3A_394 = arith.constant 5.000000e-01 : f32
      %mul3A_395 = arith.mulf %get3A_360, %mul3A_394 : f32
      %sub3A_396 = arith.subf %get3A_348, %mul3A_395 : f32
      %max3A_397 = vector.broadcast %sub3A_396 : f32 to vector<40x128xf32>
      %max3A_398 = arith.maximumf %sub3A_55, %max3A_397 : vector<40x128xf32>
      %sub3A_399 = arith.subf %min3A_393, %max3A_398 : vector<40x128xf32>
      %jit3A_400 = arith.constant 0.000000e+00 : f32
      %max3A_401 = vector.broadcast %jit3A_400 : f32 to vector<40x128xf32>
      %max3A_402 = arith.maximumf %max3A_401, %sub3A_399 : vector<40x128xf32>
      %mul3A_403 = arith.mulf %max3A_374, %max3A_388 : vector<40x128xf32>
      %mul3A_404 = arith.mulf %mul3A_403, %max3A_402 : vector<40x128xf32>
      %mul3A_405 = arith.mulf %get3A_352, %get3A_356 : f32
      %mul3A_406 = arith.mulf %mul3A_405, %get3A_360 : f32
      %add3A_407 = vector.broadcast %mul3A_406 : f32 to vector<40x128xf32>
      %add3A_408 = arith.addf %mul3A_57, %add3A_407 : vector<40x128xf32>
      %sub3A_409 = arith.subf %add3A_408, %mul3A_404 : vector<40x128xf32>
      %jit3A_410 = arith.constant 9.99999997E-7 : f32
      %max3A_411 = vector.broadcast %jit3A_410 : f32 to vector<40x128xf32>
      %max3A_412 = arith.maximumf %max3A_411, %sub3A_409 : vector<40x128xf32>
      %div3A_413 = arith.divf %mul3A_404, %max3A_412 : vector<40x128xf32>
      %gt3A_414 = arith.cmpf ogt, %div3A_413, %select_n3A_332 : vector<40x128xf32>
      %select_n3A_415 = arith.select %gt3A_414, %div3A_413, %select_n3A_332 : vector<40x128xi1>, vector<40x128xf32>
      %broadcast_in_dim3A_416 = vector.broadcast %scan3A_336 : i32 to vector<40x128xi32>
      %select_n3A_417 = arith.select %gt3A_414, %broadcast_in_dim3A_416, %select_n3A_334 : vector<40x128xi1>, vector<40x128xi32>
      %scan3A_418 = arith.constant 4 : i32
      %scan3A_419 = arith.addi %scan3A_89, %scan3A_418 : i32
      %get3A_420 = arith.constant 0 : index
      %get3A_421 = arith.constant 0 : index
      %get3A_422 = arith.index_cast %scan3A_419 : i32 to index
      %get3A_423 = memref.load %arg3[%get3A_420, %get3A_421, %get3A_422] : memref<1x8x128xf32, #tpu.memory_space<smem>>
      %get3A_424 = arith.constant 0 : index
      %get3A_425 = arith.constant 1 : index
      %get3A_426 = arith.index_cast %scan3A_419 : i32 to index
      %get3A_427 = memref.load %arg3[%get3A_424, %get3A_425, %get3A_426] : memref<1x8x128xf32, #tpu.memory_space<smem>>
      %get3A_428 = arith.constant 0 : index
      %get3A_429 = arith.constant 2 : index
      %get3A_430 = arith.index_cast %scan3A_419 : i32 to index
      %get3A_431 = memref.load %arg3[%get3A_428, %get3A_429, %get3A_430] : memref<1x8x128xf32, #tpu.memory_space<smem>>
      %get3A_432 = arith.constant 0 : index
      %get3A_433 = arith.constant 3 : index
      %get3A_434 = arith.index_cast %scan3A_419 : i32 to index
      %get3A_435 = memref.load %arg3[%get3A_432, %get3A_433, %get3A_434] : memref<1x8x128xf32, #tpu.memory_space<smem>>
      %get3A_436 = arith.constant 0 : index
      %get3A_437 = arith.constant 4 : index
      %get3A_438 = arith.index_cast %scan3A_419 : i32 to index
      %get3A_439 = memref.load %arg3[%get3A_436, %get3A_437, %get3A_438] : memref<1x8x128xf32, #tpu.memory_space<smem>>
      %get3A_440 = arith.constant 0 : index
      %get3A_441 = arith.constant 5 : index
      %get3A_442 = arith.index_cast %scan3A_419 : i32 to index
      %get3A_443 = memref.load %arg3[%get3A_440, %get3A_441, %get3A_442] : memref<1x8x128xf32, #tpu.memory_space<smem>>
      %mul3A_444 = arith.constant 5.000000e-01 : f32
      %mul3A_445 = arith.mulf %get3A_435, %mul3A_444 : f32
      %add3A_446 = arith.addf %get3A_423, %mul3A_445 : f32
      %min3A_447 = vector.broadcast %add3A_446 : f32 to vector<40x128xf32>
      %min3A_448 = arith.minimumf %add3A, %min3A_447 : vector<40x128xf32>
      %mul3A_449 = arith.constant 5.000000e-01 : f32
      %mul3A_450 = arith.mulf %get3A_435, %mul3A_449 : f32
      %sub3A_451 = arith.subf %get3A_423, %mul3A_450 : f32
      %max3A_452 = vector.broadcast %sub3A_451 : f32 to vector<40x128xf32>
      %max3A_453 = arith.maximumf %sub3A, %max3A_452 : vector<40x128xf32>
      %sub3A_454 = arith.subf %min3A_448, %max3A_453 : vector<40x128xf32>
      %jit3A_455 = arith.constant 0.000000e+00 : f32
      %max3A_456 = vector.broadcast %jit3A_455 : f32 to vector<40x128xf32>
      %max3A_457 = arith.maximumf %max3A_456, %sub3A_454 : vector<40x128xf32>
      %mul3A_458 = arith.constant 5.000000e-01 : f32
      %mul3A_459 = arith.mulf %get3A_439, %mul3A_458 : f32
      %add3A_460 = arith.addf %get3A_427, %mul3A_459 : f32
      %min3A_461 = vector.broadcast %add3A_460 : f32 to vector<40x128xf32>
      %min3A_462 = arith.minimumf %add3A_40, %min3A_461 : vector<40x128xf32>
      %mul3A_463 = arith.constant 5.000000e-01 : f32
      %mul3A_464 = arith.mulf %get3A_439, %mul3A_463 : f32
      %sub3A_465 = arith.subf %get3A_427, %mul3A_464 : f32
      %max3A_466 = vector.broadcast %sub3A_465 : f32 to vector<40x128xf32>
      %max3A_467 = arith.maximumf %sub3A_51, %max3A_466 : vector<40x128xf32>
      %sub3A_468 = arith.subf %min3A_462, %max3A_467 : vector<40x128xf32>
      %jit3A_469 = arith.constant 0.000000e+00 : f32
      %max3A_470 = vector.broadcast %jit3A_469 : f32 to vector<40x128xf32>
      %max3A_471 = arith.maximumf %max3A_470, %sub3A_468 : vector<40x128xf32>
      %mul3A_472 = arith.constant 5.000000e-01 : f32
      %mul3A_473 = arith.mulf %get3A_443, %mul3A_472 : f32
      %add3A_474 = arith.addf %get3A_431, %mul3A_473 : f32
      %min3A_475 = vector.broadcast %add3A_474 : f32 to vector<40x128xf32>
      %min3A_476 = arith.minimumf %add3A_44, %min3A_475 : vector<40x128xf32>
      %mul3A_477 = arith.constant 5.000000e-01 : f32
      %mul3A_478 = arith.mulf %get3A_443, %mul3A_477 : f32
      %sub3A_479 = arith.subf %get3A_431, %mul3A_478 : f32
      %max3A_480 = vector.broadcast %sub3A_479 : f32 to vector<40x128xf32>
      %max3A_481 = arith.maximumf %sub3A_55, %max3A_480 : vector<40x128xf32>
      %sub3A_482 = arith.subf %min3A_476, %max3A_481 : vector<40x128xf32>
      %jit3A_483 = arith.constant 0.000000e+00 : f32
      %max3A_484 = vector.broadcast %jit3A_483 : f32 to vector<40x128xf32>
      %max3A_485 = arith.maximumf %max3A_484, %sub3A_482 : vector<40x128xf32>
      %mul3A_486 = arith.mulf %max3A_457, %max3A_471 : vector<40x128xf32>
      %mul3A_487 = arith.mulf %mul3A_486, %max3A_485 : vector<40x128xf32>
      %mul3A_488 = arith.mulf %get3A_435, %get3A_439 : f32
      %mul3A_489 = arith.mulf %mul3A_488, %get3A_443 : f32
      %add3A_490 = vector.broadcast %mul3A_489 : f32 to vector<40x128xf32>
      %add3A_491 = arith.addf %mul3A_57, %add3A_490 : vector<40x128xf32>
      %sub3A_492 = arith.subf %add3A_491, %mul3A_487 : vector<40x128xf32>
      %jit3A_493 = arith.constant 9.99999997E-7 : f32
      %max3A_494 = vector.broadcast %jit3A_493 : f32 to vector<40x128xf32>
      %max3A_495 = arith.maximumf %max3A_494, %sub3A_492 : vector<40x128xf32>
      %div3A_496 = arith.divf %mul3A_487, %max3A_495 : vector<40x128xf32>
      %gt3A_497 = arith.cmpf ogt, %div3A_496, %select_n3A_415 : vector<40x128xf32>
      %select_n3A_498 = arith.select %gt3A_497, %div3A_496, %select_n3A_415 : vector<40x128xi1>, vector<40x128xf32>
      %broadcast_in_dim3A_499 = vector.broadcast %scan3A_419 : i32 to vector<40x128xi32>
      %select_n3A_500 = arith.select %gt3A_497, %broadcast_in_dim3A_499, %select_n3A_417 : vector<40x128xi1>, vector<40x128xi32>
      %scan3A_501 = arith.constant 5 : i32
      %scan3A_502 = arith.addi %scan3A_89, %scan3A_501 : i32
      %get3A_503 = arith.constant 0 : index
      %get3A_504 = arith.constant 0 : index
      %get3A_505 = arith.index_cast %scan3A_502 : i32 to index
      %get3A_506 = memref.load %arg3[%get3A_503, %get3A_504, %get3A_505] : memref<1x8x128xf32, #tpu.memory_space<smem>>
      %get3A_507 = arith.constant 0 : index
      %get3A_508 = arith.constant 1 : index
      %get3A_509 = arith.index_cast %scan3A_502 : i32 to index
      %get3A_510 = memref.load %arg3[%get3A_507, %get3A_508, %get3A_509] : memref<1x8x128xf32, #tpu.memory_space<smem>>
      %get3A_511 = arith.constant 0 : index
      %get3A_512 = arith.constant 2 : index
      %get3A_513 = arith.index_cast %scan3A_502 : i32 to index
      %get3A_514 = memref.load %arg3[%get3A_511, %get3A_512, %get3A_513] : memref<1x8x128xf32, #tpu.memory_space<smem>>
      %get3A_515 = arith.constant 0 : index
      %get3A_516 = arith.constant 3 : index
      %get3A_517 = arith.index_cast %scan3A_502 : i32 to index
      %get3A_518 = memref.load %arg3[%get3A_515, %get3A_516, %get3A_517] : memref<1x8x128xf32, #tpu.memory_space<smem>>
      %get3A_519 = arith.constant 0 : index
      %get3A_520 = arith.constant 4 : index
      %get3A_521 = arith.index_cast %scan3A_502 : i32 to index
      %get3A_522 = memref.load %arg3[%get3A_519, %get3A_520, %get3A_521] : memref<1x8x128xf32, #tpu.memory_space<smem>>
      %get3A_523 = arith.constant 0 : index
      %get3A_524 = arith.constant 5 : index
      %get3A_525 = arith.index_cast %scan3A_502 : i32 to index
      %get3A_526 = memref.load %arg3[%get3A_523, %get3A_524, %get3A_525] : memref<1x8x128xf32, #tpu.memory_space<smem>>
      %mul3A_527 = arith.constant 5.000000e-01 : f32
      %mul3A_528 = arith.mulf %get3A_518, %mul3A_527 : f32
      %add3A_529 = arith.addf %get3A_506, %mul3A_528 : f32
      %min3A_530 = vector.broadcast %add3A_529 : f32 to vector<40x128xf32>
      %min3A_531 = arith.minimumf %add3A, %min3A_530 : vector<40x128xf32>
      %mul3A_532 = arith.constant 5.000000e-01 : f32
      %mul3A_533 = arith.mulf %get3A_518, %mul3A_532 : f32
      %sub3A_534 = arith.subf %get3A_506, %mul3A_533 : f32
      %max3A_535 = vector.broadcast %sub3A_534 : f32 to vector<40x128xf32>
      %max3A_536 = arith.maximumf %sub3A, %max3A_535 : vector<40x128xf32>
      %sub3A_537 = arith.subf %min3A_531, %max3A_536 : vector<40x128xf32>
      %jit3A_538 = arith.constant 0.000000e+00 : f32
      %max3A_539 = vector.broadcast %jit3A_538 : f32 to vector<40x128xf32>
      %max3A_540 = arith.maximumf %max3A_539, %sub3A_537 : vector<40x128xf32>
      %mul3A_541 = arith.constant 5.000000e-01 : f32
      %mul3A_542 = arith.mulf %get3A_522, %mul3A_541 : f32
      %add3A_543 = arith.addf %get3A_510, %mul3A_542 : f32
      %min3A_544 = vector.broadcast %add3A_543 : f32 to vector<40x128xf32>
      %min3A_545 = arith.minimumf %add3A_40, %min3A_544 : vector<40x128xf32>
      %mul3A_546 = arith.constant 5.000000e-01 : f32
      %mul3A_547 = arith.mulf %get3A_522, %mul3A_546 : f32
      %sub3A_548 = arith.subf %get3A_510, %mul3A_547 : f32
      %max3A_549 = vector.broadcast %sub3A_548 : f32 to vector<40x128xf32>
      %max3A_550 = arith.maximumf %sub3A_51, %max3A_549 : vector<40x128xf32>
      %sub3A_551 = arith.subf %min3A_545, %max3A_550 : vector<40x128xf32>
      %jit3A_552 = arith.constant 0.000000e+00 : f32
      %max3A_553 = vector.broadcast %jit3A_552 : f32 to vector<40x128xf32>
      %max3A_554 = arith.maximumf %max3A_553, %sub3A_551 : vector<40x128xf32>
      %mul3A_555 = arith.constant 5.000000e-01 : f32
      %mul3A_556 = arith.mulf %get3A_526, %mul3A_555 : f32
      %add3A_557 = arith.addf %get3A_514, %mul3A_556 : f32
      %min3A_558 = vector.broadcast %add3A_557 : f32 to vector<40x128xf32>
      %min3A_559 = arith.minimumf %add3A_44, %min3A_558 : vector<40x128xf32>
      %mul3A_560 = arith.constant 5.000000e-01 : f32
      %mul3A_561 = arith.mulf %get3A_526, %mul3A_560 : f32
      %sub3A_562 = arith.subf %get3A_514, %mul3A_561 : f32
      %max3A_563 = vector.broadcast %sub3A_562 : f32 to vector<40x128xf32>
      %max3A_564 = arith.maximumf %sub3A_55, %max3A_563 : vector<40x128xf32>
      %sub3A_565 = arith.subf %min3A_559, %max3A_564 : vector<40x128xf32>
      %jit3A_566 = arith.constant 0.000000e+00 : f32
      %max3A_567 = vector.broadcast %jit3A_566 : f32 to vector<40x128xf32>
      %max3A_568 = arith.maximumf %max3A_567, %sub3A_565 : vector<40x128xf32>
      %mul3A_569 = arith.mulf %max3A_540, %max3A_554 : vector<40x128xf32>
      %mul3A_570 = arith.mulf %mul3A_569, %max3A_568 : vector<40x128xf32>
      %mul3A_571 = arith.mulf %get3A_518, %get3A_522 : f32
      %mul3A_572 = arith.mulf %mul3A_571, %get3A_526 : f32
      %add3A_573 = vector.broadcast %mul3A_572 : f32 to vector<40x128xf32>
      %add3A_574 = arith.addf %mul3A_57, %add3A_573 : vector<40x128xf32>
      %sub3A_575 = arith.subf %add3A_574, %mul3A_570 : vector<40x128xf32>
      %jit3A_576 = arith.constant 9.99999997E-7 : f32
      %max3A_577 = vector.broadcast %jit3A_576 : f32 to vector<40x128xf32>
      %max3A_578 = arith.maximumf %max3A_577, %sub3A_575 : vector<40x128xf32>
      %div3A_579 = arith.divf %mul3A_570, %max3A_578 : vector<40x128xf32>
      %gt3A_580 = arith.cmpf ogt, %div3A_579, %select_n3A_498 : vector<40x128xf32>
      %select_n3A_581 = arith.select %gt3A_580, %div3A_579, %select_n3A_498 : vector<40x128xi1>, vector<40x128xf32>
      %broadcast_in_dim3A_582 = vector.broadcast %scan3A_502 : i32 to vector<40x128xi32>
      %select_n3A_583 = arith.select %gt3A_580, %broadcast_in_dim3A_582, %select_n3A_500 : vector<40x128xi1>, vector<40x128xi32>
      %scan3A_584 = arith.constant 6 : i32
      %scan3A_585 = arith.addi %scan3A_89, %scan3A_584 : i32
      %get3A_586 = arith.constant 0 : index
      %get3A_587 = arith.constant 0 : index
      %get3A_588 = arith.index_cast %scan3A_585 : i32 to index
      %get3A_589 = memref.load %arg3[%get3A_586, %get3A_587, %get3A_588] : memref<1x8x128xf32, #tpu.memory_space<smem>>
      %get3A_590 = arith.constant 0 : index
      %get3A_591 = arith.constant 1 : index
      %get3A_592 = arith.index_cast %scan3A_585 : i32 to index
      %get3A_593 = memref.load %arg3[%get3A_590, %get3A_591, %get3A_592] : memref<1x8x128xf32, #tpu.memory_space<smem>>
      %get3A_594 = arith.constant 0 : index
      %get3A_595 = arith.constant 2 : index
      %get3A_596 = arith.index_cast %scan3A_585 : i32 to index
      %get3A_597 = memref.load %arg3[%get3A_594, %get3A_595, %get3A_596] : memref<1x8x128xf32, #tpu.memory_space<smem>>
      %get3A_598 = arith.constant 0 : index
      %get3A_599 = arith.constant 3 : index
      %get3A_600 = arith.index_cast %scan3A_585 : i32 to index
      %get3A_601 = memref.load %arg3[%get3A_598, %get3A_599, %get3A_600] : memref<1x8x128xf32, #tpu.memory_space<smem>>
      %get3A_602 = arith.constant 0 : index
      %get3A_603 = arith.constant 4 : index
      %get3A_604 = arith.index_cast %scan3A_585 : i32 to index
      %get3A_605 = memref.load %arg3[%get3A_602, %get3A_603, %get3A_604] : memref<1x8x128xf32, #tpu.memory_space<smem>>
      %get3A_606 = arith.constant 0 : index
      %get3A_607 = arith.constant 5 : index
      %get3A_608 = arith.index_cast %scan3A_585 : i32 to index
      %get3A_609 = memref.load %arg3[%get3A_606, %get3A_607, %get3A_608] : memref<1x8x128xf32, #tpu.memory_space<smem>>
      %mul3A_610 = arith.constant 5.000000e-01 : f32
      %mul3A_611 = arith.mulf %get3A_601, %mul3A_610 : f32
      %add3A_612 = arith.addf %get3A_589, %mul3A_611 : f32
      %min3A_613 = vector.broadcast %add3A_612 : f32 to vector<40x128xf32>
      %min3A_614 = arith.minimumf %add3A, %min3A_613 : vector<40x128xf32>
      %mul3A_615 = arith.constant 5.000000e-01 : f32
      %mul3A_616 = arith.mulf %get3A_601, %mul3A_615 : f32
      %sub3A_617 = arith.subf %get3A_589, %mul3A_616 : f32
      %max3A_618 = vector.broadcast %sub3A_617 : f32 to vector<40x128xf32>
      %max3A_619 = arith.maximumf %sub3A, %max3A_618 : vector<40x128xf32>
      %sub3A_620 = arith.subf %min3A_614, %max3A_619 : vector<40x128xf32>
      %jit3A_621 = arith.constant 0.000000e+00 : f32
      %max3A_622 = vector.broadcast %jit3A_621 : f32 to vector<40x128xf32>
      %max3A_623 = arith.maximumf %max3A_622, %sub3A_620 : vector<40x128xf32>
      %mul3A_624 = arith.constant 5.000000e-01 : f32
      %mul3A_625 = arith.mulf %get3A_605, %mul3A_624 : f32
      %add3A_626 = arith.addf %get3A_593, %mul3A_625 : f32
      %min3A_627 = vector.broadcast %add3A_626 : f32 to vector<40x128xf32>
      %min3A_628 = arith.minimumf %add3A_40, %min3A_627 : vector<40x128xf32>
      %mul3A_629 = arith.constant 5.000000e-01 : f32
      %mul3A_630 = arith.mulf %get3A_605, %mul3A_629 : f32
      %sub3A_631 = arith.subf %get3A_593, %mul3A_630 : f32
      %max3A_632 = vector.broadcast %sub3A_631 : f32 to vector<40x128xf32>
      %max3A_633 = arith.maximumf %sub3A_51, %max3A_632 : vector<40x128xf32>
      %sub3A_634 = arith.subf %min3A_628, %max3A_633 : vector<40x128xf32>
      %jit3A_635 = arith.constant 0.000000e+00 : f32
      %max3A_636 = vector.broadcast %jit3A_635 : f32 to vector<40x128xf32>
      %max3A_637 = arith.maximumf %max3A_636, %sub3A_634 : vector<40x128xf32>
      %mul3A_638 = arith.constant 5.000000e-01 : f32
      %mul3A_639 = arith.mulf %get3A_609, %mul3A_638 : f32
      %add3A_640 = arith.addf %get3A_597, %mul3A_639 : f32
      %min3A_641 = vector.broadcast %add3A_640 : f32 to vector<40x128xf32>
      %min3A_642 = arith.minimumf %add3A_44, %min3A_641 : vector<40x128xf32>
      %mul3A_643 = arith.constant 5.000000e-01 : f32
      %mul3A_644 = arith.mulf %get3A_609, %mul3A_643 : f32
      %sub3A_645 = arith.subf %get3A_597, %mul3A_644 : f32
      %max3A_646 = vector.broadcast %sub3A_645 : f32 to vector<40x128xf32>
      %max3A_647 = arith.maximumf %sub3A_55, %max3A_646 : vector<40x128xf32>
      %sub3A_648 = arith.subf %min3A_642, %max3A_647 : vector<40x128xf32>
      %jit3A_649 = arith.constant 0.000000e+00 : f32
      %max3A_650 = vector.broadcast %jit3A_649 : f32 to vector<40x128xf32>
      %max3A_651 = arith.maximumf %max3A_650, %sub3A_648 : vector<40x128xf32>
      %mul3A_652 = arith.mulf %max3A_623, %max3A_637 : vector<40x128xf32>
      %mul3A_653 = arith.mulf %mul3A_652, %max3A_651 : vector<40x128xf32>
      %mul3A_654 = arith.mulf %get3A_601, %get3A_605 : f32
      %mul3A_655 = arith.mulf %mul3A_654, %get3A_609 : f32
      %add3A_656 = vector.broadcast %mul3A_655 : f32 to vector<40x128xf32>
      %add3A_657 = arith.addf %mul3A_57, %add3A_656 : vector<40x128xf32>
      %sub3A_658 = arith.subf %add3A_657, %mul3A_653 : vector<40x128xf32>
      %jit3A_659 = arith.constant 9.99999997E-7 : f32
      %max3A_660 = vector.broadcast %jit3A_659 : f32 to vector<40x128xf32>
      %max3A_661 = arith.maximumf %max3A_660, %sub3A_658 : vector<40x128xf32>
      %div3A_662 = arith.divf %mul3A_653, %max3A_661 : vector<40x128xf32>
      %gt3A_663 = arith.cmpf ogt, %div3A_662, %select_n3A_581 : vector<40x128xf32>
      %select_n3A_664 = arith.select %gt3A_663, %div3A_662, %select_n3A_581 : vector<40x128xi1>, vector<40x128xf32>
      %broadcast_in_dim3A_665 = vector.broadcast %scan3A_585 : i32 to vector<40x128xi32>
      %select_n3A_666 = arith.select %gt3A_663, %broadcast_in_dim3A_665, %select_n3A_583 : vector<40x128xi1>, vector<40x128xi32>
      %scan3A_667 = arith.constant 7 : i32
      %scan3A_668 = arith.addi %scan3A_89, %scan3A_667 : i32
      %get3A_669 = arith.constant 0 : index
      %get3A_670 = arith.constant 0 : index
      %get3A_671 = arith.index_cast %scan3A_668 : i32 to index
      %get3A_672 = memref.load %arg3[%get3A_669, %get3A_670, %get3A_671] : memref<1x8x128xf32, #tpu.memory_space<smem>>
      %get3A_673 = arith.constant 0 : index
      %get3A_674 = arith.constant 1 : index
      %get3A_675 = arith.index_cast %scan3A_668 : i32 to index
      %get3A_676 = memref.load %arg3[%get3A_673, %get3A_674, %get3A_675] : memref<1x8x128xf32, #tpu.memory_space<smem>>
      %get3A_677 = arith.constant 0 : index
      %get3A_678 = arith.constant 2 : index
      %get3A_679 = arith.index_cast %scan3A_668 : i32 to index
      %get3A_680 = memref.load %arg3[%get3A_677, %get3A_678, %get3A_679] : memref<1x8x128xf32, #tpu.memory_space<smem>>
      %get3A_681 = arith.constant 0 : index
      %get3A_682 = arith.constant 3 : index
      %get3A_683 = arith.index_cast %scan3A_668 : i32 to index
      %get3A_684 = memref.load %arg3[%get3A_681, %get3A_682, %get3A_683] : memref<1x8x128xf32, #tpu.memory_space<smem>>
      %get3A_685 = arith.constant 0 : index
      %get3A_686 = arith.constant 4 : index
      %get3A_687 = arith.index_cast %scan3A_668 : i32 to index
      %get3A_688 = memref.load %arg3[%get3A_685, %get3A_686, %get3A_687] : memref<1x8x128xf32, #tpu.memory_space<smem>>
      %get3A_689 = arith.constant 0 : index
      %get3A_690 = arith.constant 5 : index
      %get3A_691 = arith.index_cast %scan3A_668 : i32 to index
      %get3A_692 = memref.load %arg3[%get3A_689, %get3A_690, %get3A_691] : memref<1x8x128xf32, #tpu.memory_space<smem>>
      %mul3A_693 = arith.constant 5.000000e-01 : f32
      %mul3A_694 = arith.mulf %get3A_684, %mul3A_693 : f32
      %add3A_695 = arith.addf %get3A_672, %mul3A_694 : f32
      %min3A_696 = vector.broadcast %add3A_695 : f32 to vector<40x128xf32>
      %min3A_697 = arith.minimumf %add3A, %min3A_696 : vector<40x128xf32>
      %mul3A_698 = arith.constant 5.000000e-01 : f32
      %mul3A_699 = arith.mulf %get3A_684, %mul3A_698 : f32
      %sub3A_700 = arith.subf %get3A_672, %mul3A_699 : f32
      %max3A_701 = vector.broadcast %sub3A_700 : f32 to vector<40x128xf32>
      %max3A_702 = arith.maximumf %sub3A, %max3A_701 : vector<40x128xf32>
      %sub3A_703 = arith.subf %min3A_697, %max3A_702 : vector<40x128xf32>
      %jit3A_704 = arith.constant 0.000000e+00 : f32
      %max3A_705 = vector.broadcast %jit3A_704 : f32 to vector<40x128xf32>
      %max3A_706 = arith.maximumf %max3A_705, %sub3A_703 : vector<40x128xf32>
      %mul3A_707 = arith.constant 5.000000e-01 : f32
      %mul3A_708 = arith.mulf %get3A_688, %mul3A_707 : f32
      %add3A_709 = arith.addf %get3A_676, %mul3A_708 : f32
      %min3A_710 = vector.broadcast %add3A_709 : f32 to vector<40x128xf32>
      %min3A_711 = arith.minimumf %add3A_40, %min3A_710 : vector<40x128xf32>
      %mul3A_712 = arith.constant 5.000000e-01 : f32
      %mul3A_713 = arith.mulf %get3A_688, %mul3A_712 : f32
      %sub3A_714 = arith.subf %get3A_676, %mul3A_713 : f32
      %max3A_715 = vector.broadcast %sub3A_714 : f32 to vector<40x128xf32>
      %max3A_716 = arith.maximumf %sub3A_51, %max3A_715 : vector<40x128xf32>
      %sub3A_717 = arith.subf %min3A_711, %max3A_716 : vector<40x128xf32>
      %jit3A_718 = arith.constant 0.000000e+00 : f32
      %max3A_719 = vector.broadcast %jit3A_718 : f32 to vector<40x128xf32>
      %max3A_720 = arith.maximumf %max3A_719, %sub3A_717 : vector<40x128xf32>
      %mul3A_721 = arith.constant 5.000000e-01 : f32
      %mul3A_722 = arith.mulf %get3A_692, %mul3A_721 : f32
      %add3A_723 = arith.addf %get3A_680, %mul3A_722 : f32
      %min3A_724 = vector.broadcast %add3A_723 : f32 to vector<40x128xf32>
      %min3A_725 = arith.minimumf %add3A_44, %min3A_724 : vector<40x128xf32>
      %mul3A_726 = arith.constant 5.000000e-01 : f32
      %mul3A_727 = arith.mulf %get3A_692, %mul3A_726 : f32
      %sub3A_728 = arith.subf %get3A_680, %mul3A_727 : f32
      %max3A_729 = vector.broadcast %sub3A_728 : f32 to vector<40x128xf32>
      %max3A_730 = arith.maximumf %sub3A_55, %max3A_729 : vector<40x128xf32>
      %sub3A_731 = arith.subf %min3A_725, %max3A_730 : vector<40x128xf32>
      %jit3A_732 = arith.constant 0.000000e+00 : f32
      %max3A_733 = vector.broadcast %jit3A_732 : f32 to vector<40x128xf32>
      %max3A_734 = arith.maximumf %max3A_733, %sub3A_731 : vector<40x128xf32>
      %mul3A_735 = arith.mulf %max3A_706, %max3A_720 : vector<40x128xf32>
      %mul3A_736 = arith.mulf %mul3A_735, %max3A_734 : vector<40x128xf32>
      %mul3A_737 = arith.mulf %get3A_684, %get3A_688 : f32
      %mul3A_738 = arith.mulf %mul3A_737, %get3A_692 : f32
      %add3A_739 = vector.broadcast %mul3A_738 : f32 to vector<40x128xf32>
      %add3A_740 = arith.addf %mul3A_57, %add3A_739 : vector<40x128xf32>
      %sub3A_741 = arith.subf %add3A_740, %mul3A_736 : vector<40x128xf32>
      %jit3A_742 = arith.constant 9.99999997E-7 : f32
      %max3A_743 = vector.broadcast %jit3A_742 : f32 to vector<40x128xf32>
      %max3A_744 = arith.maximumf %max3A_743, %sub3A_741 : vector<40x128xf32>
      %div3A_745 = arith.divf %mul3A_736, %max3A_744 : vector<40x128xf32>
      %gt3A_746 = arith.cmpf ogt, %div3A_745, %select_n3A_664 : vector<40x128xf32>
      %select_n3A_747 = arith.select %gt3A_746, %div3A_745, %select_n3A_664 : vector<40x128xi1>, vector<40x128xf32>
      %broadcast_in_dim3A_748 = vector.broadcast %scan3A_668 : i32 to vector<40x128xi32>
      %select_n3A_749 = arith.select %gt3A_746, %broadcast_in_dim3A_748, %select_n3A_666 : vector<40x128xi1>, vector<40x128xi32>
      %scan3A_750 = arith.constant 8 : i32
      %scan3A_751 = arith.addi %scan3A_89, %scan3A_750 : i32
      %get3A_752 = arith.constant 0 : index
      %get3A_753 = arith.constant 0 : index
      %get3A_754 = arith.index_cast %scan3A_751 : i32 to index
      %get3A_755 = memref.load %arg3[%get3A_752, %get3A_753, %get3A_754] : memref<1x8x128xf32, #tpu.memory_space<smem>>
      %get3A_756 = arith.constant 0 : index
      %get3A_757 = arith.constant 1 : index
      %get3A_758 = arith.index_cast %scan3A_751 : i32 to index
      %get3A_759 = memref.load %arg3[%get3A_756, %get3A_757, %get3A_758] : memref<1x8x128xf32, #tpu.memory_space<smem>>
      %get3A_760 = arith.constant 0 : index
      %get3A_761 = arith.constant 2 : index
      %get3A_762 = arith.index_cast %scan3A_751 : i32 to index
      %get3A_763 = memref.load %arg3[%get3A_760, %get3A_761, %get3A_762] : memref<1x8x128xf32, #tpu.memory_space<smem>>
      %get3A_764 = arith.constant 0 : index
      %get3A_765 = arith.constant 3 : index
      %get3A_766 = arith.index_cast %scan3A_751 : i32 to index
      %get3A_767 = memref.load %arg3[%get3A_764, %get3A_765, %get3A_766] : memref<1x8x128xf32, #tpu.memory_space<smem>>
      %get3A_768 = arith.constant 0 : index
      %get3A_769 = arith.constant 4 : index
      %get3A_770 = arith.index_cast %scan3A_751 : i32 to index
      %get3A_771 = memref.load %arg3[%get3A_768, %get3A_769, %get3A_770] : memref<1x8x128xf32, #tpu.memory_space<smem>>
      %get3A_772 = arith.constant 0 : index
      %get3A_773 = arith.constant 5 : index
      %get3A_774 = arith.index_cast %scan3A_751 : i32 to index
      %get3A_775 = memref.load %arg3[%get3A_772, %get3A_773, %get3A_774] : memref<1x8x128xf32, #tpu.memory_space<smem>>
      %mul3A_776 = arith.constant 5.000000e-01 : f32
      %mul3A_777 = arith.mulf %get3A_767, %mul3A_776 : f32
      %add3A_778 = arith.addf %get3A_755, %mul3A_777 : f32
      %min3A_779 = vector.broadcast %add3A_778 : f32 to vector<40x128xf32>
      %min3A_780 = arith.minimumf %add3A, %min3A_779 : vector<40x128xf32>
      %mul3A_781 = arith.constant 5.000000e-01 : f32
      %mul3A_782 = arith.mulf %get3A_767, %mul3A_781 : f32
      %sub3A_783 = arith.subf %get3A_755, %mul3A_782 : f32
      %max3A_784 = vector.broadcast %sub3A_783 : f32 to vector<40x128xf32>
      %max3A_785 = arith.maximumf %sub3A, %max3A_784 : vector<40x128xf32>
      %sub3A_786 = arith.subf %min3A_780, %max3A_785 : vector<40x128xf32>
      %jit3A_787 = arith.constant 0.000000e+00 : f32
      %max3A_788 = vector.broadcast %jit3A_787 : f32 to vector<40x128xf32>
      %max3A_789 = arith.maximumf %max3A_788, %sub3A_786 : vector<40x128xf32>
      %mul3A_790 = arith.constant 5.000000e-01 : f32
      %mul3A_791 = arith.mulf %get3A_771, %mul3A_790 : f32
      %add3A_792 = arith.addf %get3A_759, %mul3A_791 : f32
      %min3A_793 = vector.broadcast %add3A_792 : f32 to vector<40x128xf32>
      %min3A_794 = arith.minimumf %add3A_40, %min3A_793 : vector<40x128xf32>
      %mul3A_795 = arith.constant 5.000000e-01 : f32
      %mul3A_796 = arith.mulf %get3A_771, %mul3A_795 : f32
      %sub3A_797 = arith.subf %get3A_759, %mul3A_796 : f32
      %max3A_798 = vector.broadcast %sub3A_797 : f32 to vector<40x128xf32>
      %max3A_799 = arith.maximumf %sub3A_51, %max3A_798 : vector<40x128xf32>
      %sub3A_800 = arith.subf %min3A_794, %max3A_799 : vector<40x128xf32>
      %jit3A_801 = arith.constant 0.000000e+00 : f32
      %max3A_802 = vector.broadcast %jit3A_801 : f32 to vector<40x128xf32>
      %max3A_803 = arith.maximumf %max3A_802, %sub3A_800 : vector<40x128xf32>
      %mul3A_804 = arith.constant 5.000000e-01 : f32
      %mul3A_805 = arith.mulf %get3A_775, %mul3A_804 : f32
      %add3A_806 = arith.addf %get3A_763, %mul3A_805 : f32
      %min3A_807 = vector.broadcast %add3A_806 : f32 to vector<40x128xf32>
      %min3A_808 = arith.minimumf %add3A_44, %min3A_807 : vector<40x128xf32>
      %mul3A_809 = arith.constant 5.000000e-01 : f32
      %mul3A_810 = arith.mulf %get3A_775, %mul3A_809 : f32
      %sub3A_811 = arith.subf %get3A_763, %mul3A_810 : f32
      %max3A_812 = vector.broadcast %sub3A_811 : f32 to vector<40x128xf32>
      %max3A_813 = arith.maximumf %sub3A_55, %max3A_812 : vector<40x128xf32>
      %sub3A_814 = arith.subf %min3A_808, %max3A_813 : vector<40x128xf32>
      %jit3A_815 = arith.constant 0.000000e+00 : f32
      %max3A_816 = vector.broadcast %jit3A_815 : f32 to vector<40x128xf32>
      %max3A_817 = arith.maximumf %max3A_816, %sub3A_814 : vector<40x128xf32>
      %mul3A_818 = arith.mulf %max3A_789, %max3A_803 : vector<40x128xf32>
      %mul3A_819 = arith.mulf %mul3A_818, %max3A_817 : vector<40x128xf32>
      %mul3A_820 = arith.mulf %get3A_767, %get3A_771 : f32
      %mul3A_821 = arith.mulf %mul3A_820, %get3A_775 : f32
      %add3A_822 = vector.broadcast %mul3A_821 : f32 to vector<40x128xf32>
      %add3A_823 = arith.addf %mul3A_57, %add3A_822 : vector<40x128xf32>
      %sub3A_824 = arith.subf %add3A_823, %mul3A_819 : vector<40x128xf32>
      %jit3A_825 = arith.constant 9.99999997E-7 : f32
      %max3A_826 = vector.broadcast %jit3A_825 : f32 to vector<40x128xf32>
      %max3A_827 = arith.maximumf %max3A_826, %sub3A_824 : vector<40x128xf32>
      %div3A_828 = arith.divf %mul3A_819, %max3A_827 : vector<40x128xf32>
      %gt3A_829 = arith.cmpf ogt, %div3A_828, %select_n3A_747 : vector<40x128xf32>
      %select_n3A_830 = arith.select %gt3A_829, %div3A_828, %select_n3A_747 : vector<40x128xi1>, vector<40x128xf32>
      %broadcast_in_dim3A_831 = vector.broadcast %scan3A_751 : i32 to vector<40x128xi32>
      %select_n3A_832 = arith.select %gt3A_829, %broadcast_in_dim3A_831, %select_n3A_749 : vector<40x128xi1>, vector<40x128xi32>
      %scan3A_833 = arith.constant 9 : i32
      %scan3A_834 = arith.addi %scan3A_89, %scan3A_833 : i32
      %get3A_835 = arith.constant 0 : index
      %get3A_836 = arith.constant 0 : index
      %get3A_837 = arith.index_cast %scan3A_834 : i32 to index
      %get3A_838 = memref.load %arg3[%get3A_835, %get3A_836, %get3A_837] : memref<1x8x128xf32, #tpu.memory_space<smem>>
      %get3A_839 = arith.constant 0 : index
      %get3A_840 = arith.constant 1 : index
      %get3A_841 = arith.index_cast %scan3A_834 : i32 to index
      %get3A_842 = memref.load %arg3[%get3A_839, %get3A_840, %get3A_841] : memref<1x8x128xf32, #tpu.memory_space<smem>>
      %get3A_843 = arith.constant 0 : index
      %get3A_844 = arith.constant 2 : index
      %get3A_845 = arith.index_cast %scan3A_834 : i32 to index
      %get3A_846 = memref.load %arg3[%get3A_843, %get3A_844, %get3A_845] : memref<1x8x128xf32, #tpu.memory_space<smem>>
      %get3A_847 = arith.constant 0 : index
      %get3A_848 = arith.constant 3 : index
      %get3A_849 = arith.index_cast %scan3A_834 : i32 to index
      %get3A_850 = memref.load %arg3[%get3A_847, %get3A_848, %get3A_849] : memref<1x8x128xf32, #tpu.memory_space<smem>>
      %get3A_851 = arith.constant 0 : index
      %get3A_852 = arith.constant 4 : index
      %get3A_853 = arith.index_cast %scan3A_834 : i32 to index
      %get3A_854 = memref.load %arg3[%get3A_851, %get3A_852, %get3A_853] : memref<1x8x128xf32, #tpu.memory_space<smem>>
      %get3A_855 = arith.constant 0 : index
      %get3A_856 = arith.constant 5 : index
      %get3A_857 = arith.index_cast %scan3A_834 : i32 to index
      %get3A_858 = memref.load %arg3[%get3A_855, %get3A_856, %get3A_857] : memref<1x8x128xf32, #tpu.memory_space<smem>>
      %mul3A_859 = arith.constant 5.000000e-01 : f32
      %mul3A_860 = arith.mulf %get3A_850, %mul3A_859 : f32
      %add3A_861 = arith.addf %get3A_838, %mul3A_860 : f32
      %min3A_862 = vector.broadcast %add3A_861 : f32 to vector<40x128xf32>
      %min3A_863 = arith.minimumf %add3A, %min3A_862 : vector<40x128xf32>
      %mul3A_864 = arith.constant 5.000000e-01 : f32
      %mul3A_865 = arith.mulf %get3A_850, %mul3A_864 : f32
      %sub3A_866 = arith.subf %get3A_838, %mul3A_865 : f32
      %max3A_867 = vector.broadcast %sub3A_866 : f32 to vector<40x128xf32>
      %max3A_868 = arith.maximumf %sub3A, %max3A_867 : vector<40x128xf32>
      %sub3A_869 = arith.subf %min3A_863, %max3A_868 : vector<40x128xf32>
      %jit3A_870 = arith.constant 0.000000e+00 : f32
      %max3A_871 = vector.broadcast %jit3A_870 : f32 to vector<40x128xf32>
      %max3A_872 = arith.maximumf %max3A_871, %sub3A_869 : vector<40x128xf32>
      %mul3A_873 = arith.constant 5.000000e-01 : f32
      %mul3A_874 = arith.mulf %get3A_854, %mul3A_873 : f32
      %add3A_875 = arith.addf %get3A_842, %mul3A_874 : f32
      %min3A_876 = vector.broadcast %add3A_875 : f32 to vector<40x128xf32>
      %min3A_877 = arith.minimumf %add3A_40, %min3A_876 : vector<40x128xf32>
      %mul3A_878 = arith.constant 5.000000e-01 : f32
      %mul3A_879 = arith.mulf %get3A_854, %mul3A_878 : f32
      %sub3A_880 = arith.subf %get3A_842, %mul3A_879 : f32
      %max3A_881 = vector.broadcast %sub3A_880 : f32 to vector<40x128xf32>
      %max3A_882 = arith.maximumf %sub3A_51, %max3A_881 : vector<40x128xf32>
      %sub3A_883 = arith.subf %min3A_877, %max3A_882 : vector<40x128xf32>
      %jit3A_884 = arith.constant 0.000000e+00 : f32
      %max3A_885 = vector.broadcast %jit3A_884 : f32 to vector<40x128xf32>
      %max3A_886 = arith.maximumf %max3A_885, %sub3A_883 : vector<40x128xf32>
      %mul3A_887 = arith.constant 5.000000e-01 : f32
      %mul3A_888 = arith.mulf %get3A_858, %mul3A_887 : f32
      %add3A_889 = arith.addf %get3A_846, %mul3A_888 : f32
      %min3A_890 = vector.broadcast %add3A_889 : f32 to vector<40x128xf32>
      %min3A_891 = arith.minimumf %add3A_44, %min3A_890 : vector<40x128xf32>
      %mul3A_892 = arith.constant 5.000000e-01 : f32
      %mul3A_893 = arith.mulf %get3A_858, %mul3A_892 : f32
      %sub3A_894 = arith.subf %get3A_846, %mul3A_893 : f32
      %max3A_895 = vector.broadcast %sub3A_894 : f32 to vector<40x128xf32>
      %max3A_896 = arith.maximumf %sub3A_55, %max3A_895 : vector<40x128xf32>
      %sub3A_897 = arith.subf %min3A_891, %max3A_896 : vector<40x128xf32>
      %jit3A_898 = arith.constant 0.000000e+00 : f32
      %max3A_899 = vector.broadcast %jit3A_898 : f32 to vector<40x128xf32>
      %max3A_900 = arith.maximumf %max3A_899, %sub3A_897 : vector<40x128xf32>
      %mul3A_901 = arith.mulf %max3A_872, %max3A_886 : vector<40x128xf32>
      %mul3A_902 = arith.mulf %mul3A_901, %max3A_900 : vector<40x128xf32>
      %mul3A_903 = arith.mulf %get3A_850, %get3A_854 : f32
      %mul3A_904 = arith.mulf %mul3A_903, %get3A_858 : f32
      %add3A_905 = vector.broadcast %mul3A_904 : f32 to vector<40x128xf32>
      %add3A_906 = arith.addf %mul3A_57, %add3A_905 : vector<40x128xf32>
      %sub3A_907 = arith.subf %add3A_906, %mul3A_902 : vector<40x128xf32>
      %jit3A_908 = arith.constant 9.99999997E-7 : f32
      %max3A_909 = vector.broadcast %jit3A_908 : f32 to vector<40x128xf32>
      %max3A_910 = arith.maximumf %max3A_909, %sub3A_907 : vector<40x128xf32>
      %div3A_911 = arith.divf %mul3A_902, %max3A_910 : vector<40x128xf32>
      %gt3A_912 = arith.cmpf ogt, %div3A_911, %select_n3A_830 : vector<40x128xf32>
      %select_n3A_913 = arith.select %gt3A_912, %div3A_911, %select_n3A_830 : vector<40x128xi1>, vector<40x128xf32>
      %broadcast_in_dim3A_914 = vector.broadcast %scan3A_834 : i32 to vector<40x128xi32>
      %select_n3A_915 = arith.select %gt3A_912, %broadcast_in_dim3A_914, %select_n3A_832 : vector<40x128xi1>, vector<40x128xi32>
      scf.yield %select_n3A_913, %select_n3A_915 : vector<40x128xf32>, vector<40x128xi32>
    }
    %scan3A_65 = arith.constant 100 : i32
    %mul3A_66 = arith.constant 40 : i32
    %mul3A_67 = arith.muli %arg1, %mul3A_66 : i32
    %iota3A = tpu.iota {dimensions = array<i32: 0>} : vector<40x128xi32>
    %add3A_68 = vector.broadcast %mul3A_67 : i32 to vector<40x128xi32>
    %add3A_69 = arith.addi %add3A_68, %iota3A : vector<40x128xi32>
    %mul3A_70 = arith.constant 128 : i32
    %mul3A_71 = vector.broadcast %mul3A_70 : i32 to vector<40x128xi32>
    %mul3A_72 = arith.muli %add3A_69, %mul3A_71 : vector<40x128xi32>
    %iota3A_73 = tpu.iota {dimensions = array<i32: 1>} : vector<40x128xi32>
    %add3A_74 = arith.addi %mul3A_72, %iota3A_73 : vector<40x128xi32>
    %lt3A = arith.constant 20000 : i32
    %lt3A_75 = vector.broadcast %lt3A : i32 to vector<40x128xi32>
    %lt3A_76 = arith.cmpi slt, %add3A_74, %lt3A_75 : vector<40x128xi32>
    %jit3A = arith.constant -1.000000e+00 : f32
    %broadcast_in_dim3A_77 = vector.broadcast %jit3A : f32 to vector<40x128xf32>
    %select_n3A = arith.select %lt3A_76, %scan3A_64#0, %broadcast_in_dim3A_77 : vector<40x128xi1>, vector<40x128xf32>
    %swap3A = arith.constant 0 : index
    %swap3A_78 = arith.constant 0 : index
    %swap3A_79 = arith.constant 0 : index
    %swap3A_80 = vector.load %arg4[%swap3A, %swap3A_78, %swap3A_79] : memref<1x40x128xf32, #tpu.memory_space<vmem>>, vector<1x40x128xf32>
    %swap3A_81 = vector.shape_cast %swap3A_80 : vector<1x40x128xf32> to vector<40x128xf32>
    %swap3A_82 = vector.shape_cast %select_n3A : vector<40x128xf32> to vector<1x40x128xf32>
    tpu.vector_store %arg4[%swap3A, %swap3A_78, %swap3A_79], %swap3A_82 {strides = array<i32>} : memref<1x40x128xf32, #tpu.memory_space<vmem>>, vector<1x40x128xf32>,
    %swap3A_83 = arith.constant 0 : index
    %swap3A_84 = arith.constant 0 : index
    %swap3A_85 = arith.constant 0 : index
    %swap3A_86 = vector.load %arg5[%swap3A_83, %swap3A_84, %swap3A_85] : memref<1x40x128xi32, #tpu.memory_space<vmem>>, vector<1x40x128xi32>
    %swap3A_87 = vector.shape_cast %swap3A_86 : vector<1x40x128xi32> to vector<40x128xi32>
    %swap3A_88 = vector.shape_cast %scan3A_64#1 : vector<40x128xi32> to vector<1x40x128xi32>
    tpu.vector_store %arg5[%swap3A_83, %swap3A_84, %swap3A_85], %swap3A_88 {strides = array<i32>} : memref<1x40x128xi32, #tpu.memory_space<vmem>>, vector<1x40x128xi32>,
    return
  }
  func.func @transform_0(%arg0: i32, %arg1: i32) -> (i32, i32, i32, i32) {
    %c0_i32 = arith.constant 0 : i32
    %c0_i32_0 = arith.constant 0 : i32
    %c0_i32_1 = arith.constant 0 : i32
    return %arg0, %c0_i32, %arg1, %c0_i32_0 : i32, i32, i32, i32
  }
  func.func @transform_1(%arg0: i32, %arg1: i32) -> (i32, i32, i32) {
    %c0_i32 = arith.constant 0 : i32
    %c0_i32_0 = arith.constant 0 : i32
    %c0_i32_1 = arith.constant 0 : i32
    return %arg0, %c0_i32, %c0_i32_0 : i32, i32, i32
  }
  func.func @transform_2(%arg0: i32, %arg1: i32) -> (i32, i32, i32) {
    %c0_i32 = arith.constant 0 : i32
    %c0_i32_0 = arith.constant 0 : i32
    return %arg0, %arg1, %c0_i32 : i32, i32, i32
  }
  func.func @transform_3(%arg0: i32, %arg1: i32) -> (i32, i32, i32) {
    %c0_i32 = arith.constant 0 : i32
    %c0_i32_0 = arith.constant 0 : i32
    return %arg0, %arg1, %c0_i32 : i32, i32, i32
  }
}

</mosaic_0001>

<sc_bundles>
// kernel: kernel.5.cloned.1.call-start
scs
__scs_entry_jumppad:
0x0: {  	(pc) =	sbr.rel $0x88, $3  }
0x1: {  	(tag) =	ssettag $0x0;
	lr =	simm.s32 $0x1  }
0x2: {  	[smem:$0x3F9D] =	sst lr;
	_ =	strace $0xD0000000  }
0x3: {  	_ = 	snop  }
0x4: {  	_ = 	snop  }
0x5: {  	_ = 	snop  }
0x6: {  	_ = 	snop  }
0x7: {  	_ = 	snop  }
__scs_overlays_trampoline_lowered:
0x8: {  	[smem:$0x3FAC] =	sst s0  }
0x9: {  	[smem:$0x3FAD] =	sst s1  }
0xa: {  	[smem:$0x3FAE] =	sst s2  }
0xb: {  	[smem:$0x3FAF] =	sst s3  }
0xc: {  	[smem:$0x3FB0] =	sst s4  }
0xd: {  	[smem:$0x3FB1] =	sst s5  }
0xe: {  	[smem:$0x3FB2] =	sst s6  }
0xf: {  	[smem:$0x3FB3] =	sst s7  }
0x10: {  	[smem:$0x3FB4] =	sst s8  }
0x11: {  	[smem:$0x3FB5] =	sst s9;
	s0 =	simm.s32 @!p0 $0x0  }
0x12: {  	s1 =	sld [smem:$0x3F9B];
	s0 =	simm.s32 @p0 $0x1  }
0x13: {  	[smem:$0x3FB6] =	sst s0;
	s0 =	simm.s32 @!p1 $0x0  }
0x14: {  	s2 =	sld [smem:$0x3F9A];
	s0 =	simm.s32 @p1 $0x1  }
0x15: {  	[smem:$0x3FB7] =	sst s0;
	s0 =	simm.s32 @!p2 $0x0  }
0x16: {  	s3 =	sld [smem:$0x3FDB];
	s0 =	simm.s32 @p2 $0x1  }
0x17: {  	s4 =	simm.s32 $0x1BF5;
	[smem:$0x3FB9] =	sst s0  }
0x18: {  	s0 =	sld [smem:$0x3F9C];
	_ =	swait.ge [sflag:s4], $0x0  }
0x19: {  	s7 =	sld [smem:$0x3F9D]  }
0x1a: {  	s8 =	sadd.s32 $0xFFFFE003, lr  }
0x1b: {  	s9 =	sadd.s32 $0xFFFFFEF7, lr;
	s5 =	simm.s32 $0xFFFFFFFF;
	p2 =	slt.u32 s8, $0xFFFFF086  }
0x1c: {  	p1 =	slt.u32 s9, $0xF7A;
	s5 =	simm.s32 @!p2 $0x0  }
0x1d: {  	s5 =	simm.s32 @p1 $0x1;
	p0 =	seq.s32 s7, s2  }
0x1e: {  	s7 =	smul.u32 @!p0 $0xF7A, s2;
	p2 =	seq.s32 @!p0 s5, $0x0  }
0x1f: {  	s9 =	smul.u32 $0xF7A, s1;
	s8 =	simm.s32 @!p0 $0x1BF5;
	p2 =	por !p2, p0  }
0x20: {  	[sflag:s8] =	ssyncset.s32 @!p0 $0xFFFFF086;
	s6 =	sadd.s32 @!p0 s3, s7;
	s7 =	simm.s32 @!p0 $0x108  }
0x21: {  	s3 =	sadd.s32 s3, s9;
	s6 =	sadd.s32 @!p0 $0x88, s6;
	s7 =	simm.s32 @p2 $0x1082  }
0x22: {  	[simem:s7], [sflag:s8] =	dma.local @!p0 [hbm:s6], $0xF7A  }
0x23: {  	s9 =	sor.u32 $0xD0000000, s2;
	s6 =	simm.s32 $0x108;
	_ =	swait.ge @!p0 [sflag:s8], $0x0  }
0x24: {  	s3 =	sadd.s32 $0x88, s3;
	s6 =	simm.s32 @!p1 $0x1082;
	[sflag:s4] =	ssyncset.s32 $0xFFFFF086  }
0x25: {  	[simem:s6], [sflag:s4] =	dma.local [hbm:s3], $0xF7A  }
0x26: {  	[smem:$0x3F9D] =	sst s1;
	(tag) =	ssettag s2;
	_ =	strace s9  }
0x27: {  	s1 =	sld [smem:$0x3FAD]  }
0x28: {  	s2 =	sld [smem:$0x3FAE]  }
0x29: {  	s4 =	sld [smem:$0x3FB0]  }
0x2a: {  	p0 =	seq.s32 s5, $0x0;
	s5 =	sld [smem:$0x3FB1]  }
0x2b: {  	s6 =	sld [smem:$0x3FB2]  }
0x2c: {  	s7 =	sld [smem:$0x3FB3]  }
0x2d: {  	s3 =	simm.s32 $0x108;
	s8 =	sld [smem:$0x3FB4]  }
0x2e: {  	s3 =	simm.s32 @!p0 $0x1082;
	s9 =	sld [smem:$0x3FB5]  }
0x2f: {  	lr =	sadd.s32 s0, s3;
	s0 =	sld [smem:$0x3FAC]  }
0x30: {  	s3 =	sld [smem:$0x3FAF]  }
0x31: {  	[smem:$0x3FB8] =	sst s10  }
0x32: {  	s10 =	sld [smem:$0x3FB6];
	_ =	sdelay $0x3  }
0x33: {  	p0 =	seq.s32 s10, $0x1;
	s10 =	sld [smem:$0x3FB8];
	_ =	sdelay $0x3  }
0x34: {  	[smem:$0x3FB8] =	sst s10  }
0x35: {  	s10 =	sld [smem:$0x3FB7];
	_ =	sdelay $0x3  }
0x36: {  	p1 =	seq.s32 s10, $0x1;
	s10 =	sld [smem:$0x3FB8];
	_ =	sdelay $0x3  }
0x37: {  	[smem:$0x3FB8] =	sst s10  }
0x38: {  	s10 =	sld [smem:$0x3FB9]  }
0x39: {  	_ = 	snop;
	(pc) =	sbr.ind lr, $3  }
0x3a: {  	_ = 	snop  }
0x3b: {  	_ = 	snop  }
0x3c: {  	p2 =	seq.s32 s10, $0x1;
	s10 =	sld [smem:$0x3FB8]  }
0x3d: {  	_ =	shalt  }
0x3e: {  	_ =	shalt  }
0x3f: {  	_ =	shalt  }
0x40: {  	_ =	shalt  }
0x41: {  	_ =	shalt  }
0x42: {  	_ =	shalt  }
0x43: {  	_ =	shalt  }
0x44: {  	_ =	shalt  }
0x45: {  	_ =	shalt  }
0x46: {  	_ =	shalt  }
0x47: {  	_ =	shalt  }
0x48: {  	_ =	shalt  }
0x49: {  	_ =	shalt  }
0x4a: {  	_ =	shalt  }
0x4b: {  	_ =	shalt  }
0x4c: {  	_ =	shalt  }
0x4d: {  	_ =	shalt  }
0x4e: {  	_ =	shalt  }
0x4f: {  	_ =	shalt  }
0x50: {  	_ =	shalt  }
0x51: {  	_ =	shalt  }
0x52: {  	_ =	shalt  }
0x53: {  	_ =	shalt  }
0x54: {  	_ =	shalt  }
0x55: {  	_ =	shalt  }
0x56: {  	_ =	shalt  }
0x57: {  	_ =	shalt  }
0x58: {  	_ =	shalt  }
0x59: {  	_ =	shalt  }
0x5a: {  	_ =	shalt  }
0x5b: {  	_ =	shalt  }
0x5c: {  	_ =	shalt  }
0x5d: {  	_ =	shalt  }
0x5e: {  	_ =	shalt  }
0x5f: {  	_ =	shalt  }
0x60: {  	_ =	shalt  }
0x61: {  	_ =	shalt  }
0x62: {  	_ =	shalt  }
0x63: {  	_ =	shalt  }
0x64: {  	_ =	shalt  }
0x65: {  	_ =	shalt  }
0x66: {  	_ =	shalt  }
0x67: {  	_ =	shalt  }
0x68: {  	_ =	shalt  }
0x69: {  	_ =	shalt  }
0x6a: {  	_ =	shalt  }
0x6b: {  	_ =	shalt  }
0x6c: {  	_ =	shalt  }
0x6d: {  	_ =	shalt  }
0x6e: {  	_ =	shalt  }
0x6f: {  	_ =	shalt  }
0x70: {  	_ =	shalt  }
0x71: {  	_ =	shalt  }
0x72: {  	_ =	shalt  }
0x73: {  	_ =	shalt  }
0x74: {  	_ =	shalt  }
0x75: {  	_ =	shalt  }
0x76: {  	_ =	shalt  }
0x77: {  	_ =	shalt  }
0x78: {  	_ =	shalt  }
0x79: {  	_ =	shalt  }
0x7a: {  	_ =	shalt  }
0x7b: {  	_ =	shalt  }
0x7c: {  	_ =	shalt  }
0x7d: {  	_ =	shalt  }
0x7e: {  	_ =	shalt  }
0x7f: {  	_ =	shalt  }
0x80: {  	_ =	shalt  }
0x81: {  	_ =	shalt  }
0x82: {  	_ =	shalt  }
0x83: {  	_ =	shalt  }
0x84: {  	_ =	shalt  }
0x85: {  	_ =	shalt  }
0x86: {  	_ =	shalt  }
0x87: {  	_ =	shalt  }
.Lfunc_end0:
.L_simem_size_0:
called_computation_lowered:
.L_overlay_start_0:
0x88: {  	s0 =	sld [smem:$0x3FD9]  }
0x89: {  	s1 =	sld [smem:$0x3FFE];
	_ =	sdelay $0x3  }
0x8a: {  	s0 =	sadd.s32 s1, s0  }
0x8b: {  	[smem:$0x3FC4] =	sst s0  }
0x8c: {  	_ = 	snop  }
0x8d: {  	s0 =	sld [smem:$0x3FD0];
	_ =	sdelay $0x2  }
0x8e: {  	s13 =	simm.s32 $0xA;
	s2 =	simm.s32 $0x10  }
0x8f: {  	[smem:s2], [sflag:s13] =	dma.local [hbm:s0], $0x1  }
0x90: {  	_ =	swait.eq [sflag:s13], $0x1  }
0x91: {  	s14 =	sld [smem:$0x12]  }
0x92: {  	s15 =	sld [smem:$0x13]  }
0x93: {  	s3 =	sld [smem:$0x14];
	[sflag:s13] =	ssyncset.done $0x0  }
0x94: {  	s4 =	sld [smem:$0x15];
	[sflag:s13] =	ssyncadd.s32 $0xFFFFFFFF  }
0x95: {  	s16 =	sld [smem:$0x16];
	(tm) =	ssettm $0x1  }
0x96: {  	s5 =	sld [smem:$0x3FFB];
	_ =	sdelay $0x3  }
0x97: {  	_ =	strace s5  }
0x98: {  	s5 =	sld [smem:$0x3FFC];
	_ =	sdelay $0x3  }
0x99: {  	_ =	strace s5  }
0x9a: {  	s5 =	sld [smem:$0x3FFD];
	_ =	sdelay $0x3  }
0x9b: {  	_ =	strace s5  }
0x9c: {  	_ =	strace $0x8FFFFFFF  }
0x9d: {  	s17 =	sld [smem:$0x3FDB];
	_ =	sdelay $0x1  }
0x9e: {  	s6 =	simm.s32 $_scs_section_size  }
0x9f: {  	s7 =	simm.s32 $_size__tile_overlayer_lowered;
	s8 =	simm.s32 $_tile_overlayer_lowered  }
0xa0: {  	s20 =	simm.s32 $0x1BFF;
	s19 =	sshll.u32 s8, $0x1;
	s5 =	sadd.s32 s6, s17  }
0xa1: {  	s9 =	simm.s32 $0x0;
	s18 =	sshll.u32 s7, $0x1;
	s7 =	sadd.s32 s19, s5  }
0xa2: {  	[timem:s9], [sflag:s20] =	dma.local [hbm:s7], s18  }
0xa3: {  	_ =	swait.ge [sflag:s20], s18  }
0xa4: {  	s6 =	ssub.s32 $0x0, s18;
	[sflag:s20] =	ssyncset.done $0x0  }
0xa5: {  	[sflag:s20] =	ssyncadd.s32 s6;
	_ =	sdelay $0x1  }
0xa6: {  	s21 =	simm.s32 $0x1B8B  }
0xa7: {  	_ =	swait.ge [sflag:s21], $0x1  }
0xa8: {  	[sflag:s21] =	ssyncset.done $0x0  }
0xa9: {  	s23 =	simm.s32 $0x1B8E;
	s22 =	sld [smem:$0x3FFE];
	[sflag:s21] =	ssyncadd.s32 $0xFFFFFFFF  }
0xaa: {  	s24 =	simm.s32 $execute0_lowered;
	[smem:$0x3FD2] =	sst s23  }
0xab: {  	s7 =	sshll.u32 s24, $0x1;
	_ =	strace $0x80000046;
	[dreg:$0x1] =	wrdreg $0xFFFFFFFF  }
0xac: {  	s25 =	simm.s32 $_size_execute0_lowered;
	s5 =	sadd.s32 s5, s7;
	[dreg:$0x0] =	wrdreg $0x0  }
0xad: {  	s7 =	sshll.u32 s25, $0x1;
	[dreg:$0x2] =	wrdreg s5  }
0xae: {  	[dreg:$0x3] =	wrdreg s7  }
0xaf: {  	[dreg:$0x4] =	wrdreg $0xC0  }
0xb0: {  	_ =	task [dreg:s9], $0x5FFFF  }
0xb1: {  	[dreg:$0x1] =	wrdreg $0xFFFFFFFF  }
0xb2: {  	[dreg:$0x0] =	wrdreg $0x60  }
0xb3: {  	[dreg:$0x2] =	wrdreg s22  }
0xb4: {  	[dreg:$0x3] =	wrdreg s14  }
0xb5: {  	[dreg:$0x4] =	wrdreg s16  }
0xb6: {  	[dreg:$0x5] =	wrdreg s4  }
0xb7: {  	[dreg:$0x6] =	wrdreg s15  }
0xb8: {  	[dreg:$0x7] =	wrdreg s3  }
0xb9: {  	[dreg:$0x8] =	wrdreg $0x9  }
0xba: {  	_ =	task.clear_ibuf [dreg:s9], $0x9FFFF;
	_ =	strace $0x90000046  }
0xbb: {  	s26 =	simm.s32 $0x9;
	_ =	strace $0x80000048  }
0xbc: {  	_ =	swait.ge [sflag:s26], $0x1  }
0xbd: {  	[sflag:s26] =	ssyncadd.s32 $0xFFFFFFFF  }
0xbe: {  	_ =	strace $0x90000048  }
0xbf: {  	_ =	sfence  }
0xc0: {  	s28 =	sld [smem:$0x0];
	_ =	sdelay $0x1  }
0xc1: {  	s29 =	srdreg.scid  }
0xc2: {  	s30 =	sshll.u32 s29, $0xD;
	s31 =	sshrl.u32 s29, $0x2  }
0xc3: {  	s1 =	sand.u32 $0x1, s29;
	s2 =	sand.u32 $0x4000, s30;
	s0 =	sadd.s32 s31, s28  }
0xc4: {  	s1 =	sor.u32 s2, s1;
	s0 =	sshll.u32 s0, $0x11  }
0xc5: {  	s0 =	sor.u32 s0, s1  }
0xc6: {  	s0 =	sadd.s32 $0x8F2B, s0  }
0xc7: {  	[sflag:s0] =	ssyncadd.remote.s32 $0x1  }
0xc8: {  	_ =	sfence.sel $0xFFFF  }
0xc9: {  	[dreg:$0x0] =	wrdreg $0xFFFFFFFF;
	(pc) =	sbr.abs _section_cstart, $3  }
0xca: {  	[dreg:$0x1] =	wrdreg $0xFFFFFFFF  }
0xcb: {  	_ =	task.clear_ibuf [dreg:s9], $0x2FFFF;
	_ =	strace $0x9FFFFFFF  }
0xcc: {  	(tm) =	ssettm $0x7FFFFFFF  }
0xcd: {  	_ =	shalt  }
tec
execute0_lowered:
.L_overlay_start_1:
0x0: {  	(tag) =	ssettag $0x1  }
0x1: {  	s5 =	rddreg [dreg:$0x0]  }
0x2: {  	s3 =	rddreg [dreg:$0x1];
	s1 =	stileid.u32  }
0x3: {  	s4 =	rddreg [dreg:$0x2];
	p0 =	sgt.u32 s1, $0x3  }
.Ltmp0:
0x4: {  	s11 =	rddreg [dreg:$0x3];
	(pc) =	sbr.rel @p0 .LBB2_6-.Ltmp0, $4  }
0x5: {  	s2 =	rddreg [dreg:$0x4]  }
0x6: {  	s10 =	rddreg [dreg:$0x5];
	s7 =	simm.s32 $0x0  }
0x7: {  	[smem:$0x7FF] =	sst s7  }
0x8: {  	s0 =	rddreg [dreg:$0x6];
	_ =	strace $0x80000047  }
0x9: {  	s6 =	smul.u32 $0xA00, s1  }
0xa: {  	s8 =	sadd.s32 $0x6C00, s5  }
0xb: {  	s24 =	simm.s32 $0x1;
	s8 =	sadd.s32 s8, s6  }
0xc: {  	[tilespmem:s7], [sflag:$0x1] =	stream.linear.gather [hbm4b:s8+s7], $0x5000, $0x38;
	[tilespmem:$0x14300] =	vst v63  }
0xd: {  	_ =	swait.ge [sflag:s24], $0x5000  }
0xe: {  	s9 =	sadd.s32 $0x9400, s5;
	[sflag:s24] =	ssyncset.done $0x0  }
0xf: {  	s25 =	simm.s32 $0x5000;
	s6 =	sadd.s32 s9, s6;
	[sflag:s24] =	ssyncadd.s32 $0xFFFFB000  }
0x10: {  	[tilespmem:s25], [sflag:$0x1] =	stream.linear.gather [hbm4b:s6+s7], $0x5000, $0x38;
	[tilespmem:$0x14300] =	vst v63  }
0x11: {  	s26 =	smul.u32 $0x9C4, s1;
	_ =	swait.ge [sflag:s24], $0x5000  }
0x12: {  	s28 =	sadd.s32 $0x4400, s5;
	[sflag:s24] =	ssyncset.done $0x0  }
0x13: {  	s12 =	simm.s32 $0xA000;
	s9 =	sadd.s32 s28, s26;
	[sflag:s24] =	ssyncadd.s32 $0xFFFFB000  }
0x14: {  	[tilespmem:s12], [sflag:$0x1] =	stream.linear.gather [hbm4b:s9+s7], $0x4E20, $0x38;
	[tilespmem:$0x14300] =	vst v63  }
0x15: {  	_ =	swait.ge [sflag:s24], $0x4E20  }
0x16: {  	s29 =	sadd.s32 $0x1C00, s5;
	[sflag:s24] =	ssyncset.done $0x0  }
0x17: {  	s30 =	simm.s32 $0xF000;
	s5 =	sadd.s32 s29, s26;
	[sflag:s24] =	ssyncadd.s32 $0xFFFFB1E0  }
0x18: {  	[tilespmem:s30], [sflag:$0x1] =	stream.linear.gather [hbm4b:s5+s7], $0x4E20, $0x38;
	[tilespmem:$0x14300] =	vst v63  }
0x19: {  	_ =	swait.ge [sflag:s24], $0x4E20  }
0x1a: {  	[sflag:s24] =	ssyncset.done $0x0  }
0x1b: {  	s8 =	simm.s32 $0xA0;
	[sflag:s24] =	ssyncadd.s32 $0xFFFFB1E0  }
0x1c: {  	v0 =	vld [tilespmem:s8+$0xFFFFFFD0]  }
0x1d: {  	v1 =	vld [tilespmem:s8+$0xFFFFFF80]  }
0x1e: {  	v2 =	vld [tilespmem:s8+$0xFFFFFF90]  }
0x1f: {  	v3 =	vld [tilespmem:s8+$0xFFFFFFC0]  }
0x20: {  	v4 =	vld [tilespmem:s8+$0xFFFFFF60]  }
0x21: {  	v5 =	vld [tilespmem:s8+$0xFFFFFFA0]  }
0x22: {  	v6 =	vld [tilespmem:s8+$0xFFFFFFB0]  }
0x23: {  	v7 =	vld [tilespmem:s8+$0xFFFFFF70]  }
0x24: {  	v8 =	vld [tilespmem:s8+$0xFFFFFFF0]  }
0x25: {  	v9 =	vld [tilespmem:s8+$0xFFFFFFE0];
	_ =	sdelay $0x1  }
0x26: {  	v1 =	vmax.f32 v1, v2  }
0x27: {  	v49 =	vmax.f32 v5, v6;
	v4 =	vmax.f32 v4, v7;
	v0 =	vmax.f32 v3, v0  }
0x28: {  	v1 =	vmax.f32 v4, v1;
	v0 =	vmax.f32 v49, v0  }
0x29: {  	v50 =	vmax.f32 v9, v8;
	v0 =	vmax.f32 v1, v0  }
0x2a: {  	v0 =	vmax.f32 v0, v50  }
0x2b: {  	(xrf0) =	vmax.scan.msk.f32 $0xffff, v0;
	_ =	sdelay $0x2  }
0x2c: {  	v51 =	vmov s7  }
0x2d: {  	v0 =	vand.u32 $0xFFFFFFFE, v51  }
0x2e: {  	v0 =	vbroadcast v0, $0x0  }
0x2f: {  	v52, _, _ =	vpop (xrf0)  }
0x30: {  	v1 =	vadd.f32 $0.0e+00, v52;
	_ =	sdelay $0x1  }
0x31: {  	v1 =	vbroadcast v1, $0xF  }
0x32: {  	s9 =	simm.s32 $0x14000  }
0x33: {  	[tilespmem:v0+s9+$0x0] =	vst.idx.msk $0x1, v1  }
0x34: {  	v0 =	vld [tilespmem:s8+$0x0]  }
0x35: {  	v1 =	vld [tilespmem:s8+$0x10]  }
0x36: {  	v53 =	vld [tilespmem:s8+$0x50]  }
0x37: {  	v54 =	vld [tilespmem:s8+$0x70]  }
0x38: {  	v55 =	vld [tilespmem:s8+$0x60]  }
0x39: {  	v56 =	vld [tilespmem:s8+$0x30]  }
0x3a: {  	v57 =	vld [tilespmem:s8+$0x20]  }
0x3b: {  	v58 =	vld [tilespmem:s8+$0x40]  }
0x3c: {  	v59 =	vld [tilespmem:s8+$0x90]  }
0x3d: {  	v60 =	vld [tilespmem:s8+$0x80];
	_ =	sdelay $0x1  }
0x3e: {  	v0 =	vmax.f32 v0, v1  }
0x3f: {  	v61 =	vmax.f32 v55, v54;
	v62 =	vmax.f32 v57, v56;
	v2 =	vmax.f32 v58, v53  }
0x40: {  	v0 =	vmax.f32 v0, v62;
	v1 =	vmax.f32 v2, v61  }
0x41: {  	s31 =	sshll.u32 s1, $0x4;
	v63 =	vmax.f32 v60, v59;
	v0 =	vmax.f32 v0, v1  }
0x42: {  	s6 =	sadd.s32 s3, s31;
	s3 =	sadd.s32 s2, s31;
	s2 =	sadd.s32 s10, s31;
	v0 =	vmax.f32 v0, v63  }
0x43: {  	s10 =	simm.s32 $0x2;
	s5 =	sadd.s32 s4, s31;
	s4 =	sadd.s32 s11, s31;
	(xrf0) =	vmax.scan.msk.f32 $0xffff, v0  }
.LBB2_2:
0x44: {  	_ =	sdelay $0x1  }
0x45: {  	p0 =	slt.u32 s10, $0x7E  }
0x46: {  	s8 =	sadd.s32 $0x140, s8;
	s11 =	smov.u32 s10;
	s10 =	sadd.s32 $0x2, s10  }
0x47: {  	s12 =	sadd.s32 $0x1, s7;
	s7 =	smov.u32 s11  }
0x48: {  	v0 =	vmov s12;
	v1, _, _ =	vpop (xrf0)  }
0x49: {  	v1 =	vadd.f32 $0.0e+00, v1;
	_ =	sdelay $0x1  }
0x4a: {  	v1 =	vbroadcast v1, $0xF;
	_ =	sdelay $0x1  }
0x4b: {  	[tilespmem:v0+s9+$0x0] =	vst.idx.msk $0x1, v1  }
0x4c: {  	v0 =	vld [tilespmem:s8+$0xFFFFFFD0]  }
0x4d: {  	v1 =	vld [tilespmem:s8+$0xFFFFFF80]  }
0x4e: {  	v2 =	vld [tilespmem:s8+$0xFFFFFF90]  }
0x4f: {  	v3 =	vld [tilespmem:s8+$0xFFFFFFC0]  }
0x50: {  	v4 =	vld [tilespmem:s8+$0xFFFFFF60]  }
0x51: {  	v5 =	vld [tilespmem:s8+$0xFFFFFFA0]  }
0x52: {  	v6 =	vld [tilespmem:s8+$0xFFFFFFB0]  }
0x53: {  	v7 =	vld [tilespmem:s8+$0xFFFFFF70]  }
0x54: {  	v8 =	vld [tilespmem:s8+$0xFFFFFFF0]  }
0x55: {  	v1 =	vmax.f32 v1, v2;
	v9 =	vld [tilespmem:s8+$0xFFFFFFE0];
	_ =	sdelay $0x1  }
0x56: {  	v2 =	vmax.f32 v5, v6  }
0x57: {  	v0 =	vmax.f32 v3, v0;
	v4 =	vmax.f32 v4, v7  }
0x58: {  	v0 =	vmax.f32 v2, v0;
	v1 =	vmax.f32 v4, v1  }
0x59: {  	v2 =	vmax.f32 v9, v8;
	v0 =	vmax.f32 v1, v0  }
0x5a: {  	v0 =	vmax.f32 v0, v2  }
0x5b: {  	(xrf0) =	vmax.scan.msk.f32 $0xffff, v0;
	_ =	sdelay $0x2  }
0x5c: {  	v0 =	vmov s7  }
0x5d: {  	v0 =	vand.u32 $0xFFFFFFFE, v0  }
0x5e: {  	v0 =	vbroadcast v0, $0x0  }
0x5f: {  	v1, _, _ =	vpop (xrf0)  }
0x60: {  	v1 =	vadd.f32 $0.0e+00, v1;
	_ =	sdelay $0x1  }
0x61: {  	v1 =	vbroadcast v1, $0xF;
	_ =	sdelay $0x1  }
0x62: {  	[tilespmem:v0+s9+$0x0] =	vst.idx.msk $0x1, v1  }
0x63: {  	v0 =	vld [tilespmem:s8+$0x0]  }
0x64: {  	v1 =	vld [tilespmem:s8+$0x10]  }
0x65: {  	v2 =	vld [tilespmem:s8+$0x50]  }
0x66: {  	v3 =	vld [tilespmem:s8+$0x70]  }
0x67: {  	v4 =	vld [tilespmem:s8+$0x60]  }
0x68: {  	v5 =	vld [tilespmem:s8+$0x30]  }
0x69: {  	v6 =	vld [tilespmem:s8+$0x20];
	v0 =	vmax.f32 v0, v1  }
0x6a: {  	v1 =	vld [tilespmem:s8+$0x40]  }
0x6b: {  	v7 =	vld [tilespmem:s8+$0x90]  }
0x6c: {  	v8 =	vld [tilespmem:s8+$0x80];
	v3 =	vmax.f32 v4, v3;
	_ =	sdelay $0x1  }
0x6d: {  	v4 =	vmax.f32 v6, v5  }
.Ltmp1:
0x6e: {  	v1 =	vmax.f32 v1, v2;
	v0 =	vmax.f32 v0, v4;
	(pc) =	sbr.rel @p0 .LBB2_2-.Ltmp1, $4  }
0x6f: {  	v1 =	vmax.f32 v1, v3  }
0x70: {  	v2 =	vmax.f32 v8, v7;
	v0 =	vmax.f32 v0, v1  }
0x71: {  	v0 =	vmax.f32 v0, v2  }
0x72: {  	(xrf0) =	vmax.scan.msk.f32 $0xffff, v0  }
0x73: {  	_ =	sdelay $0x3  }
0x74: {  	s7 =	sadd.s32 $0x1, s7  }
0x75: {  	v8 =	vmov s7;
	v0, _, _ =	vpop (xrf0)  }
0x76: {  	v1 =	vadd.f32 $0.0e+00, v0;
	v0 =	vlaneseq.u32  }
0x77: {  	v10 =	vimm.f32 $-2.000000000e+00;
	v2 =	vor.u32 $0x70, v0  }
0x78: {  	v3 =	vor.u32 $0x20, v0;
	v4 =	vor.u32 $0x60, v0;
	v9 =	vbroadcast v1, $0xF  }
0x79: {  	s8 =	simm.s32 $0x14080;
	s10 =	simm.s32 $0x0;
	v5 =	vor.u32 $0x10, v0;
	v6 =	vor.u32 $0x50, v0;
	v7 =	vor.u32 $0x40, v0  }
0x7a: {  	s11 =	simm.s32 $0x14000;
	s7 =	simm.s32 $0x0;
	v1 =	vor.u32 $0x30, v0;
	[tilespmem:v8+s9+$0x0] =	vst.idx.msk $0x1, v9;
	v8 =	vor.u32 $0x90, v0;
	v9 =	vor.u32 $0x80, v0;
	s9 =	simm.s32 $0x14100  }
.LBB2_4:
0x7b: {  	v11 =	vld [tilespmem:$0x14000]  }
0x7c: {  	v12 =	vld [tilespmem:$0x14010]  }
0x7d: {  	v13 =	vld [tilespmem:$0x14020]  }
0x7e: {  	v14 =	vld [tilespmem:$0x14030]  }
0x7f: {  	v15 =	vld [tilespmem:$0x14040]  }
0x80: {  	v16 =	vld [tilespmem:$0x14050]  }
0x81: {  	v17 =	vld [tilespmem:$0x14060]  }
0x82: {  	v18 =	vld [tilespmem:$0x14070];
	_ =	sdelay $0x3  }
0x83: {  	v19 =	vmax.f32 v11, v12  }
0x84: {  	v20 =	vmax.f32 v13, v14;
	v21 =	vmax.f32 v15, v16;
	v22 =	vmax.f32 v17, v18  }
0x85: {  	v19 =	vmax.f32 v19, v20;
	v41 =	vmax.f32 v21, v22  }
0x86: {  	v19 =	vmax.f32 v19, v41  }
0x87: {  	(xrf0) =	vmax.scan.msk.f32 $0xffff, v19;
	_ =	sdelay $0x5  }
0x88: {  	v19, _, _ =	vpop (xrf0)  }
0x89: {  	v19 =	vbroadcast v19, $0xF;
	_ =	sdelay $0x1  }
0x8a: {  	vm0 =	veq.f32 v11, v19;
	vm1 =	veq.f32 v12, v19  }
0x8b: {  	vm2 =	veq.f32 v13, v19;
	vm3 =	veq.f32 v14, v19;
	vm4 =	veq.f32 v18, v19  }
0x8c: {  	vm12 =	veq.f32 v17, v19;
	v11 =	vnsel vm3, $0x40000000, v1;
	v42 =	vnsel vm4, $0x40000000, v2  }
0x8d: {  	vm13 =	veq.f32 v16, v19;
	v11 =	vsel vm2, v3, v11;
	v12 =	vsel vm12, v4, v42  }
0x8e: {  	vm14 =	veq.f32 v15, v19;
	v11 =	vsel vm1, v5, v11;
	v12 =	vsel vm13, v6, v12  }
0x8f: {  	v11 =	vsel vm0, v0, v11;
	v12 =	vsel vm14, v7, v12  }
0x90: {  	v11 =	vmin.u32 v11, v12  }
0x91: {  	v11 =	vor.u32 $0x80000000, v11  }
0x92: {  	(xrf0) =	vmin.scan.msk.u32 $0xffff, v11;
	_ =	sdelay $0x5  }
0x93: {  	v11, _, _ =	vpop (xrf0)  }
0x94: {  	(v2sf) =	vpush v11, $0xF;
	_ =	sdelay $0xe  }
0x95: {  	s12 =	spop (v2sf)  }
0x96: {  	s12 =	sxor.u32 $0x80000000, s12  }
0x97: {  	s13 =	smul.u32 $0xA0, s12;
	_ =	sdelay $0x1  }
0x98: {  	v11 =	vld [tilespmem:s13+$0x0]  }
0x99: {  	v43 =	vld [tilespmem:s13+$0x10]  }
0x9a: {  	v44 =	vld [tilespmem:s13+$0x20]  }
0x9b: {  	v45 =	vld [tilespmem:s13+$0x30]  }
0x9c: {  	v46 =	vld [tilespmem:s13+$0x40]  }
0x9d: {  	v47 =	vld [tilespmem:s13+$0x50]  }
0x9e: {  	v48 =	vld [tilespmem:s13+$0x70]  }
0x9f: {  	v49 =	vld [tilespmem:s13+$0x60]  }
0xa0: {  	v50 =	vld [tilespmem:s13+$0x80]  }
0xa1: {  	v51 =	vld [tilespmem:s13+$0x90];
	vm0 =	veq.f32 v11, v19  }
0xa2: {  	vm15 =	veq.f32 v43, v19;
	vm9 =	veq.f32 v44, v19;
	vm10 =	veq.f32 v45, v19  }
0xa3: {  	vm11 =	veq.f32 v46, v19;
	vm12 =	veq.f32 v48, v19;
	vm5 =	veq.f32 v47, v19  }
0xa4: {  	vm6 =	veq.f32 v49, v19;
	v11 =	vnsel vm10, $0x40000000, v1;
	v52 =	vnsel vm12, $0x40000000, v2  }
0xa5: {  	vm13 =	veq.f32 v50, v19;
	v11 =	vsel vm9, v3, v11;
	v12 =	vsel vm6, v4, v52  }
0xa6: {  	vm14 =	veq.f32 v51, v19;
	v11 =	vsel vm15, v5, v11;
	v12 =	vsel vm5, v6, v12  }
0xa7: {  	v53 =	vnsel vm14, $0x40000000, v8;
	v11 =	vsel vm0, v0, v11;
	v12 =	vsel vm11, v7, v12  }
0xa8: {  	v13 =	vsel vm13, v9, v53;
	v11 =	vmin.u32 v11, v12  }
0xa9: {  	v11 =	vmin.u32 v11, v13  }
0xaa: {  	v11 =	vor.u32 $0x80000000, v11  }
0xab: {  	(xrf0) =	vmin.scan.msk.u32 $0xffff, v11;
	_ =	sdelay $0x5  }
0xac: {  	v11, _, _ =	vpop (xrf0)  }
0xad: {  	(v2sf) =	vpush v11, $0xF;
	_ =	sdelay $0xc  }
0xae: {  	v11 =	vmov s7  }
0xaf: {  	v11 =	vand.u32 $0xFFFFFFFE, v11  }
0xb0: {  	v11 =	vbroadcast v11, $0x0;
	s14 =	spop (v2sf)  }
0xb1: {  	s14 =	sadd.s32 s14, s13  }
0xb2: {  	s14 =	sadd.s32 $0x80000000, s14  }
0xb3: {  	v54 =	vmov s14  }
0xb4: {  	v55 =	vadd.f32 $0.0e+00, v19;
	_ =	sdelay $0x1  }
0xb5: {  	[tilespmem:v11+s8+$0x0] =	vst.idx.msk $0x1, v55  }
0xb6: {  	[tilespmem:v11+s9+$0x0] =	vst.idx.msk $0x1, v54  }
0xb7: {  	[tilespmem:v54+s10+$0x0] =	vst.idx.msk $0x1, v10  }
0xb8: {  	v11 =	vld [tilespmem:s13+$0x0]  }
0xb9: {  	v12 =	vld [tilespmem:s13+$0x10]  }
0xba: {  	v13 =	vld [tilespmem:s13+$0x20]  }
0xbb: {  	v56 =	vld [tilespmem:s13+$0x30]  }
0xbc: {  	v57 =	vld [tilespmem:s13+$0x40]  }
0xbd: {  	v58 =	vld [tilespmem:s13+$0x50]  }
0xbe: {  	v59 =	vld [tilespmem:s13+$0x60]  }
0xbf: {  	v60 =	vld [tilespmem:s13+$0x70]  }
0xc0: {  	v61 =	vld [tilespmem:s13+$0x80]  }
0xc1: {  	v62 =	vld [tilespmem:s13+$0x90];
	_ =	sdelay $0x1  }
0xc2: {  	v11 =	vmax.f32 v11, v12  }
0xc3: {  	v63 =	vmax.f32 v13, v56;
	v21 =	vmax.f32 v57, v58;
	v22 =	vmax.f32 v59, v60  }
0xc4: {  	v11 =	vmax.f32 v11, v63;
	v23 =	vmax.f32 v21, v22  }
0xc5: {  	v24 =	vmax.f32 v61, v62;
	v11 =	vmax.f32 v11, v23  }
0xc6: {  	v11 =	vmax.f32 v11, v24  }
0xc7: {  	(xrf0) =	vmax.scan.msk.f32 $0xffff, v11;
	_ =	sdelay $0x5  }
0xc8: {  	v25 =	vmov s12;
	v11, _, _ =	vpop (xrf0)  }
0xc9: {  	v11 =	vadd.f32 $0.0e+00, v11;
	_ =	sdelay $0x1  }
0xca: {  	v11 =	vbroadcast v11, $0xF;
	_ =	sdelay $0x1  }
0xcb: {  	[tilespmem:v25+s11+$0x0] =	vst.idx.msk $0x1, v11  }
0xcc: {  	v11 =	vld [tilespmem:$0x14000]  }
0xcd: {  	v12 =	vld [tilespmem:$0x14010]  }
0xce: {  	v26 =	vld [tilespmem:$0x14020]  }
0xcf: {  	v27 =	vld [tilespmem:$0x14030]  }
0xd0: {  	v28 =	vld [tilespmem:$0x14040]  }
0xd1: {  	v29 =	vld [tilespmem:$0x14050]  }
0xd2: {  	v30 =	vld [tilespmem:$0x14060]  }
0xd3: {  	v31 =	vld [tilespmem:$0x14070];
	_ =	sdelay $0x3  }
0xd4: {  	v32 =	vmax.f32 v11, v12  }
0xd5: {  	v33 =	vmax.f32 v26, v27;
	v34 =	vmax.f32 v28, v29;
	v35 =	vmax.f32 v30, v31  }
0xd6: {  	v19 =	vmax.f32 v32, v33;
	v36 =	vmax.f32 v34, v35  }
0xd7: {  	v19 =	vmax.f32 v19, v36  }
0xd8: {  	(xrf0) =	vmax.scan.msk.f32 $0xffff, v19;
	_ =	sdelay $0x5  }
0xd9: {  	v19, _, _ =	vpop (xrf0)  }
0xda: {  	v19 =	vbroadcast v19, $0xF;
	_ =	sdelay $0x1  }
0xdb: {  	vm15 =	veq.f32 v11, v19;
	vm8 =	veq.f32 v12, v19  }
0xdc: {  	vm9 =	veq.f32 v26, v19;
	vm10 =	veq.f32 v27, v19;
	vm11 =	veq.f32 v31, v19  }
0xdd: {  	vm12 =	veq.f32 v30, v19;
	v11 =	vnsel vm10, $0x40000000, v1;
	v37 =	vnsel vm11, $0x40000000, v2  }
0xde: {  	vm13 =	veq.f32 v29, v19;
	v11 =	vsel vm9, v3, v11;
	v12 =	vsel vm12, v4, v37  }
0xdf: {  	vm14 =	veq.f32 v28, v19;
	v11 =	vsel vm8, v5, v11;
	v12 =	vsel vm13, v6, v12  }
0xe0: {  	v11 =	vsel vm15, v0, v11;
	v12 =	vsel vm14, v7, v12  }
0xe1: {  	v11 =	vmin.u32 v11, v12  }
0xe2: {  	v11 =	vor.u32 $0x80000000, v11  }
0xe3: {  	(xrf0) =	vmin.scan.msk.u32 $0xffff, v11;
	_ =	sdelay $0x5  }
0xe4: {  	v11, _, _ =	vpop (xrf0)  }
0xe5: {  	(v2sf) =	vpush v11, $0xF;
	_ =	sdelay $0xe  }
0xe6: {  	s29 =	spop (v2sf)  }
0xe7: {  	s12 =	sxor.u32 $0x80000000, s29  }
0xe8: {  	s30 =	smul.u32 $0xA0, s12;
	_ =	sdelay $0x1  }
0xe9: {  	v11 =	vld [tilespmem:s30+$0x0]  }
0xea: {  	v38 =	vld [tilespmem:s30+$0x10]  }
0xeb: {  	v39 =	vld [tilespmem:s30+$0x20]  }
0xec: {  	v40 =	vld [tilespmem:s30+$0x30]  }
0xed: {  	v41 =	vld [tilespmem:s30+$0x40]  }
0xee: {  	v42 =	vld [tilespmem:s30+$0x50]  }
0xef: {  	v43 =	vld [tilespmem:s30+$0x70]  }
0xf0: {  	v44 =	vld [tilespmem:s30+$0x60]  }
0xf1: {  	v45 =	vld [tilespmem:s30+$0x80]  }
0xf2: {  	v46 =	vld [tilespmem:s30+$0x90];
	vm0 =	veq.f32 v11, v19  }
0xf3: {  	vm1 =	veq.f32 v38, v19;
	vm15 =	veq.f32 v39, v19;
	vm9 =	veq.f32 v40, v19  }
0xf4: {  	vm10 =	veq.f32 v41, v19;
	vm11 =	veq.f32 v43, v19;
	vm12 =	veq.f32 v42, v19  }
0xf5: {  	vm13 =	veq.f32 v44, v19;
	v11 =	vnsel vm9, $0x40000000, v1;
	v47 =	vnsel vm11, $0x40000000, v2  }
0xf6: {  	vm14 =	veq.f32 v45, v19;
	v11 =	vsel vm15, v3, v11;
	v12 =	vsel vm13, v4, v47  }
0xf7: {  	vm15 =	veq.f32 v46, v19;
	v11 =	vsel vm1, v5, v11;
	v12 =	vsel vm12, v6, v12  }
0xf8: {  	v48 =	vnsel vm15, $0x40000000, v8;
	v11 =	vsel vm0, v0, v11;
	v12 =	vsel vm10, v7, v12  }
0xf9: {  	v13 =	vsel vm14, v9, v48;
	v11 =	vmin.u32 v11, v12  }
0xfa: {  	v11 =	vmin.u32 v11, v13  }
0xfb: {  	v11 =	vor.u32 $0x80000000, v11  }
0xfc: {  	(xrf0) =	vmin.scan.msk.u32 $0xffff, v11;
	_ =	sdelay $0x5  }
0xfd: {  	v11, _, _ =	vpop (xrf0)  }
0xfe: {  	(v2sf) =	vpush v11, $0xF;
	_ =	sdelay $0xe  }
0xff: {  	s15 =	sadd.s32 $0x1, s7;
	s31 =	spop (v2sf)  }
0x100: {  	v11 =	vmov s15;
	s14 =	sadd.s32 s31, s30  }
0x101: {  	s14 =	sadd.s32 $0x80000000, s14  }
0x102: {  	v49 =	vmov s14  }
0x103: {  	v50 =	vadd.f32 $0.0e+00, v19;
	_ =	sdelay $0x1  }
0x104: {  	[tilespmem:v11+s8+$0x0] =	vst.idx.msk $0x1, v50  }
0x105: {  	[tilespmem:v11+s9+$0x0] =	vst.idx.msk $0x1, v49  }
0x106: {  	[tilespmem:v49+s10+$0x0] =	vst.idx.msk $0x1, v10  }
0x107: {  	v11 =	vld [tilespmem:s30+$0x0]  }
0x108: {  	v12 =	vld [tilespmem:s30+$0x10]  }
0x109: {  	v13 =	vld [tilespmem:s30+$0x20]  }
0x10a: {  	v51 =	vld [tilespmem:s30+$0x30]  }
0x10b: {  	v52 =	vld [tilespmem:s30+$0x40]  }
0x10c: {  	v53 =	vld [tilespmem:s30+$0x50]  }
0x10d: {  	v54 =	vld [tilespmem:s30+$0x60]  }
0x10e: {  	v55 =	vld [tilespmem:s30+$0x70]  }
0x10f: {  	v56 =	vld [tilespmem:s30+$0x80]  }
0x110: {  	v57 =	vld [tilespmem:s30+$0x90];
	_ =	sdelay $0x1  }
0x111: {  	v11 =	vmax.f32 v11, v12  }
0x112: {  	v58 =	vmax.f32 v13, v51;
	v59 =	vmax.f32 v52, v53;
	v60 =	vmax.f32 v54, v55  }
0x113: {  	v11 =	vmax.f32 v11, v58;
	v61 =	vmax.f32 v59, v60  }
0x114: {  	v62 =	vmax.f32 v56, v57;
	v11 =	vmax.f32 v11, v61  }
0x115: {  	v11 =	vmax.f32 v11, v62  }
0x116: {  	(xrf0) =	vmax.scan.msk.f32 $0xffff, v11;
	_ =	sdelay $0x5  }
0x117: {  	p0 =	slt.u32 s7, $0x7E;
	v63 =	vmov s12;
	v11, _, _ =	vpop (xrf0)  }
.Ltmp2:
0x118: {  	v11 =	vadd.f32 $0.0e+00, v11;
	(pc) =	sbr.rel @p0 .LBB2_4-.Ltmp2, $3  }
0x119: {  	_ = 	snop  }
0x11a: {  	v11 =	vbroadcast v11, $0xF;
	_ =	sdelay $0x1  }
0x11b: {  	s7 =	sadd.s32 $0x2, s7;
	[tilespmem:v63+s11+$0x0] =	vst.idx.msk $0x1, v11  }
0x11c: {  	v0 =	vld [tilespmem:$0x14100];
	_ =	sdelay $0x6  }
0x11d: {  	s7 =	simm.s32 $0x5000  }
0x11e: {  	v1 =	vld.idx.msk [tilespmem:v0+s7+$0x0], $0xffff;
	_ =	sdelay $0x4  }
0x11f: {  	s8 =	simm.s32 $0xA000;
	[tilespmem:$0x14180] =	vst v1  }
0x120: {  	v1 =	vld.idx.msk [tilespmem:v0+s8+$0x0], $0xffff;
	_ =	sdelay $0x3  }
0x121: {  	v2 =	vld [tilespmem:$0x14110]  }
0x122: {  	s9 =	simm.s32 $0xF000;
	[tilespmem:$0x14200] =	vst v1  }
0x123: {  	v0 =	vld.idx.msk [tilespmem:v0+s9+$0x0], $0xffff;
	_ =	sdelay $0x4  }
0x124: {  	[tilespmem:$0x14280] =	vst v0  }
0x125: {  	v0 =	vld.idx.msk [tilespmem:v2+s7+$0x0], $0xffff;
	_ =	sdelay $0x4  }
0x126: {  	[tilespmem:$0x14190] =	vst v0  }
0x127: {  	v0 =	vld.idx.msk [tilespmem:v2+s8+$0x0], $0xffff;
	_ =	sdelay $0x3  }
0x128: {  	v58 =	vld [tilespmem:$0x14120]  }
0x129: {  	[tilespmem:$0x14210] =	vst v0  }
0x12a: {  	v0 =	vld.idx.msk [tilespmem:v2+s9+$0x0], $0xffff;
	_ =	sdelay $0x4  }
0x12b: {  	[tilespmem:$0x14290] =	vst v0  }
0x12c: {  	v0 =	vld.idx.msk [tilespmem:v58+s7+$0x0], $0xffff;
	_ =	sdelay $0x4  }
0x12d: {  	[tilespmem:$0x141A0] =	vst v0  }
0x12e: {  	v0 =	vld.idx.msk [tilespmem:v58+s8+$0x0], $0xffff;
	_ =	sdelay $0x3  }
0x12f: {  	v59 =	vld [tilespmem:$0x14130]  }
0x130: {  	[tilespmem:$0x14220] =	vst v0  }
0x131: {  	v0 =	vld.idx.msk [tilespmem:v58+s9+$0x0], $0xffff;
	_ =	sdelay $0x4  }
0x132: {  	[tilespmem:$0x142A0] =	vst v0  }
0x133: {  	v0 =	vld.idx.msk [tilespmem:v59+s7+$0x0], $0xffff;
	_ =	sdelay $0x4  }
0x134: {  	[tilespmem:$0x141B0] =	vst v0  }
0x135: {  	v0 =	vld.idx.msk [tilespmem:v59+s8+$0x0], $0xffff;
	_ =	sdelay $0x3  }
0x136: {  	v60 =	vld [tilespmem:$0x14140]  }
0x137: {  	[tilespmem:$0x14230] =	vst v0  }
0x138: {  	v0 =	vld.idx.msk [tilespmem:v59+s9+$0x0], $0xffff;
	_ =	sdelay $0x4  }
0x139: {  	[tilespmem:$0x142B0] =	vst v0  }
0x13a: {  	v0 =	vld.idx.msk [tilespmem:v60+s7+$0x0], $0xffff;
	_ =	sdelay $0x4  }
0x13b: {  	[tilespmem:$0x141C0] =	vst v0  }
0x13c: {  	v0 =	vld.idx.msk [tilespmem:v60+s8+$0x0], $0xffff;
	_ =	sdelay $0x3  }
0x13d: {  	v61 =	vld [tilespmem:$0x14150]  }
0x13e: {  	[tilespmem:$0x14240] =	vst v0  }
0x13f: {  	v0 =	vld.idx.msk [tilespmem:v60+s9+$0x0], $0xffff;
	_ =	sdelay $0x4  }
0x140: {  	[tilespmem:$0x142C0] =	vst v0  }
0x141: {  	v0 =	vld.idx.msk [tilespmem:v61+s7+$0x0], $0xffff;
	_ =	sdelay $0x4  }
0x142: {  	[tilespmem:$0x141D0] =	vst v0  }
0x143: {  	v0 =	vld.idx.msk [tilespmem:v61+s8+$0x0], $0xffff;
	_ =	sdelay $0x3  }
0x144: {  	v62 =	vld [tilespmem:$0x14160]  }
0x145: {  	[tilespmem:$0x14250] =	vst v0  }
0x146: {  	v0 =	vld.idx.msk [tilespmem:v61+s9+$0x0], $0xffff;
	_ =	sdelay $0x4  }
0x147: {  	[tilespmem:$0x142D0] =	vst v0  }
0x148: {  	v0 =	vld.idx.msk [tilespmem:v62+s7+$0x0], $0xffff;
	_ =	sdelay $0x4  }
0x149: {  	[tilespmem:$0x141E0] =	vst v0  }
0x14a: {  	v0 =	vld.idx.msk [tilespmem:v62+s8+$0x0], $0xffff;
	_ =	sdelay $0x3  }
0x14b: {  	v63 =	vld [tilespmem:$0x14170]  }
0x14c: {  	[tilespmem:$0x14260] =	vst v0  }
0x14d: {  	v0 =	vld.idx.msk [tilespmem:v62+s9+$0x0], $0xffff;
	_ =	sdelay $0x4  }
0x14e: {  	[tilespmem:$0x142E0] =	vst v0  }
0x14f: {  	v0 =	vld.idx.msk [tilespmem:v63+s7+$0x0], $0xffff;
	_ =	sdelay $0x4  }
0x150: {  	[tilespmem:$0x141F0] =	vst v0  }
0x151: {  	v0 =	vld.idx.msk [tilespmem:v63+s8+$0x0], $0xffff;
	_ =	sdelay $0x4  }
0x152: {  	[tilespmem:$0x14270] =	vst v0  }
0x153: {  	v0 =	vld.idx.msk [tilespmem:v63+s9+$0x0], $0xffff;
	_ =	sdelay $0x4  }
0x154: {  	s24 =	simm.s32 $0x0;
	s25 =	simm.s32 $0x14080;
	s26 =	simm.s32 $0x1;
	[tilespmem:$0x142F0] =	vst v0  }
0x155: {  	[hbm4b:s6+s24] =	stream.linear.scatter [tilespmem:s25], [sflag:$0x1], $0x80, $0x38;
	[tilespmem:$0x14300] =	vst v63  }
0x156: {  	_ =	swait.ge [sflag:s26], $0x80  }
0x157: {  	[sflag:s26] =	ssyncset.done $0x0  }
0x158: {  	s28 =	simm.s32 $0x14100;
	[sflag:s26] =	ssyncadd.s32 $0xFFFFFF80  }
0x159: {  	[hbm4b:s5+s24] =	stream.linear.scatter [tilespmem:s28], [sflag:$0x1], $0x80, $0x38;
	[tilespmem:$0x14300] =	vst v63  }
0x15a: {  	_ =	swait.ge [sflag:s26], $0x80  }
0x15b: {  	[sflag:s26] =	ssyncset.done $0x0  }
0x15c: {  	s29 =	simm.s32 $0x14180;
	[sflag:s26] =	ssyncadd.s32 $0xFFFFFF80  }
0x15d: {  	[hbm4b:s4+s24] =	stream.linear.scatter [tilespmem:s29], [sflag:$0x1], $0x80, $0x38;
	[tilespmem:$0x14300] =	vst v63  }
0x15e: {  	_ =	swait.ge [sflag:s26], $0x80  }
0x15f: {  	[sflag:s26] =	ssyncset.done $0x0  }
0x160: {  	s30 =	simm.s32 $0x14200;
	[sflag:s26] =	ssyncadd.s32 $0xFFFFFF80  }
0x161: {  	[hbm4b:s3+s24] =	stream.linear.scatter [tilespmem:s30], [sflag:$0x1], $0x80, $0x38;
	[tilespmem:$0x14300] =	vst v63  }
0x162: {  	_ =	swait.ge [sflag:s26], $0x80  }
0x163: {  	[sflag:s26] =	ssyncset.done $0x0  }
0x164: {  	s31 =	simm.s32 $0x14280;
	[sflag:s26] =	ssyncadd.s32 $0xFFFFFF80  }
0x165: {  	[hbm4b:s2+s24] =	stream.linear.scatter [tilespmem:s31], [sflag:$0x1], $0x80, $0x38;
	[tilespmem:$0x14300] =	vst v63  }
0x166: {  	_ =	swait.ge [sflag:s26], $0x80  }
0x167: {  	[sflag:s26] =	ssyncset.done $0x0  }
0x168: {  	[sflag:s26] =	ssyncadd.s32 $0xFFFFFF80  }
.LBB2_6:
0x169: {  	_ =	sfence.sel $0x180000  }
0x16a: {  	[bflag:$0x0] =	sbarrier.arrive $0xFFFF  }
0x16b: {  	p0 =	sne.s32 s1, $0x0;
	_ =	strace $0x90000047  }
0x16c: {  	s0 =	sadd.s32 @!p0 $0x100000, s0;
	[bflag:$0x2] =	sbarrier.arrive $0xFFFF  }
0x16d: {  	[sflag:s0] =	ssyncadd.tile.s32 @!p0 $0x1;
	_ =	shalt  }
.Lfunc_end2:
_tile_overlayer_lowered:
.L_overlay_start_2:
0x16e: {  	(tag) =	ssettag $0x2  }
0x16f: {  	s0 =	rddreg [dreg:$0x0];
	s2 =	stileid.u32  }
0x170: {  	s1 =	rddreg [dreg:$0x1];
	p0 =	sne.s32 s2, $0x0  }
0x171: {  	s3 =	rddreg [dreg:$0x2];
	[bflag:$0x3] =	sbarrier.arrive $0xFFFF;
	s2 =	simm.s32 @!p0 $0x1C01  }
0x172: {  	[timem:s3], [sflag:s2] =	dma.local @!p0 [hbm:s0], s1  }
0x173: {  	s0 =	simm.s32 @!p0 $0x1  }
0x174: {  	_ =	swait.ge @!p0 [sflag:s0], s1  }
0x175: {  	s1 =	ssub.s32 @!p0 $0x0, s1;
	[sflag:s0] =	ssyncset.done @!p0 $0x0  }
0x176: {  	[sflag:s0] =	ssyncadd.s32 @!p0 s1  }
0x177: {  	[bflag:$0x3] =	sbarrier.arrive $0xFFFF  }
0x178: {  	_ =	shalt  }

</sc_bundles>
